<compile_context>
chip_gen: v7x
topology: tpu7x:2x2x1
jax: 0.10.2.dev20260603
libtpu: 0.0.44.dev20260713+nightly
codegen_flags: <defaults>
</compile_context>

<pallas_src>
import functools

import jax
import jax.numpy as jnp
from jax import lax
from jax.experimental import pallas as pl
from jax.experimental.pallas import tpu as pltpu
from jax.experimental.pallas import tpu_sc as plsc

INPUT_SIZE = 200
EMBED = 64
PADDED = 128
LANES = 16
NUM_WORKERS = 32
NBUF = 2
CHUNK_A = 128
CHUNK_B = INPUT_SIZE - CHUNK_A


def _pos_encoding(n=10000):
    pos = jnp.arange(INPUT_SIZE, dtype=jnp.float32)[:, None]
    i = jnp.arange(EMBED // 2, dtype=jnp.float32)
    den = jnp.power(jnp.float32(n), 2.0 * i / EMBED)
    P = jnp.zeros((INPUT_SIZE, EMBED), dtype=jnp.float32)
    P = P.at[:, 0::2].set(jnp.sin(pos / den))
    P = P.at[:, 1::2].set(jnp.cos(pos / den))
    return P


@functools.lru_cache(maxsize=None)
def _build_gather(n_rows, vocab):
    rows_w = n_rows // NUM_WORKERS
    seqs_w = rows_w // INPUT_SIZE
    n_groups = seqs_w // NBUF
    batch = n_rows // INPUT_SIZE
    mesh = plsc.VectorSubcoreMesh(core_axis_name="c", subcore_axis_name="s")

    @functools.partial(
        pl.kernel,
        mesh=mesh,
        compiler_params=pltpu.CompilerParams(use_tc_tiling_on_sc=True),
        out_type=jax.ShapeDtypeStruct((batch, INPUT_SIZE, PADDED),
                                      jnp.float32),
        scratch_types=[
            pltpu.VMEM((rows_w,), jnp.int32),
            pltpu.VMEM((INPUT_SIZE, PADDED), jnp.float32),
            pltpu.VMEM((NBUF, INPUT_SIZE, PADDED), jnp.float32),
        ] + [pltpu.SemaphoreType.DMA] * (2 * NBUF),
    )
    def gather_add(table_hbm, idx_hbm, p_hbm, out_hbm, idx_v, p_v, rows_v,
                   *sems):
        gsems, osems = sems[:NBUF], sems[NBUF:]
        wid = lax.axis_index("s") * 2 + lax.axis_index("c")
        base = pl.multiple_of(wid * rows_w, 8)
        seq0 = wid * seqs_w
        pltpu.sync_copy(idx_hbm.at[pl.ds(base, rows_w)], idx_v)
        pltpu.sync_copy(p_hbm, p_v)

        def fire_gather(s, b):
            row0 = pl.multiple_of(s * INPUT_SIZE, 8)
            pltpu.async_copy(
                table_hbm.at[idx_v.at[pl.ds(row0, CHUNK_A)]],
                rows_v.at[b, pl.ds(0, CHUNK_A)], gsems[b])
            pltpu.async_copy(
                table_hbm.at[idx_v.at[pl.ds(row0 + CHUNK_A, CHUNK_B)]],
                rows_v.at[b, pl.ds(CHUNK_A, CHUNK_B)], gsems[b])

        def wait_gather(b):
            pltpu.make_async_copy(
                table_hbm.at[pl.ds(0, INPUT_SIZE)], rows_v.at[b],
                gsems[b]).wait()

        def fire_out(s, b):
            pltpu.async_copy(rows_v.at[b], out_hbm.at[seq0 + s], osems[b])

        def wait_out(b):
            pltpu.make_async_copy(
                rows_v.at[b], out_hbm.at[0], osems[b]).wait()

        for b in range(NBUF):
            fire_gather(b, b)

        def group(g, carry):
            for b in range(NBUF):
                s = g * NBUF + b
                wait_gather(b)

                @plsc.parallel_loop(0, INPUT_SIZE, unroll=4)
                def _(r):
                    for j in range(EMBED // LANES):
                        sl = pl.ds(j * LANES, LANES)
                        plsc.addupdate(rows_v.at[b, r, sl], p_v[r, sl])

                fire_out(s, b)

            @pl.when(g + 1 < n_groups)
            def _():
                for b in range(NBUF):
                    wait_out(b)
                    fire_gather((g + 1) * NBUF + b, b)

            return carry

        lax.fori_loop(0, n_groups, group, 0)
        for b in range(NBUF):
            wait_out(b)

    return gather_add


def kernel(x, table):
    b, l = x.shape
    idx = x.reshape(-1)
    if idx.dtype != jnp.int32:
        idx = idx.astype(jnp.int32)
    table128 = jnp.concatenate([table, table], axis=1)
    p = jnp.pad(_pos_encoding(), ((0, 0), (0, PADDED - EMBED)))
    out = _build_gather(b * l, table.shape[0])(table128, idx, p)
    return out[:, :, :EMBED]

# --- scband reference (transcript-rebuilt; emitter-appended) ---
"""Pipeline reference for scband-transformer-6184752906878 (READ-ONLY COPY).

The authoritative reference and input builder live on the scoring server;
editing this copy changes nothing except your own understanding.
"""

import jax, jax.numpy as jnp
import numpy as np

INPUT_SIZE = 200
VOCAB = 1000000
EMBED = 64
BATCH = 1024


def _positional_encoding(n=10000):
    pos = jnp.arange(INPUT_SIZE, dtype=jnp.float32)[:, None]
    i = jnp.arange(EMBED // 2, dtype=jnp.float32)
    den = jnp.power(jnp.float32(n), 2.0 * i / EMBED)
    P = jnp.zeros((INPUT_SIZE, EMBED), dtype=jnp.float32)
    P = P.at[:, 0::2].set(jnp.sin(pos / den))
    P = P.at[:, 1::2].set(jnp.cos(pos / den))
    # repeat across batch dim (P.repeat(batch_size, 1, 1))
    return jnp.broadcast_to(P[None, :, :], (BATCH, INPUT_SIZE, EMBED))


def setup_inputs(seed: int = 0) -> dict:
    key = jax.random.key(seed)
    k1, k2 = jax.random.split(key)
    x = jax.random.randint(k1, (BATCH, INPUT_SIZE), 0, VOCAB, dtype=jnp.int64 if jax.config.jax_enable_x64 else jnp.int32)
    table = jax.random.normal(k2, (VOCAB, EMBED), dtype=jnp.float32) * 0.02
    return {"x": x, "table": table}


def reference(x, table):
    # word embedding lookup
    embedding = jnp.take(table, x, axis=0)  # [B, L, E]
    pos_enc = _positional_encoding()        # [B, L, E]
    enc_x = embedding + pos_enc
    return enc_x

if __name__ == "__main__":
    import jax
    _d = setup_inputs()
    print(jax.jit(kernel)(*tuple(_d.values())))

</pallas_src>

<mosaic_0001>
#map = affine_map<(d0, d1) -> (0, 0)>
#map1 = affine_map<(d0, d1) -> (0)>
#map2 = affine_map<(d0, d1) -> (0, 0, 0)>
module attributes {stable_mosaic.version = 14 : i64} {
  func.func @gather_add(%arg0: i32, %arg1: i32, %arg2: memref<1000000x128xf32, #tpu.memory_space<hbm>>, %arg3: memref<204800xi32, #tpu.memory_space<hbm>>, %arg4: memref<200x128xf32, #tpu.memory_space<hbm>>, %arg5: memref<1024x200x128xf32, #tpu.memory_space<hbm>>, %arg6: memref<6400xi32, #tpu.memory_space<vmem>>, %arg7: memref<200x128xf32, #tpu.memory_space<vmem>>, %arg8: memref<2x200x128xf32, #tpu.memory_space<vmem>>, %arg9: memref<!tpu.dma_semaphore, #tpu.memory_space<semaphore_mem>>, %arg10: memref<!tpu.dma_semaphore, #tpu.memory_space<semaphore_mem>>, %arg11: memref<!tpu.dma_semaphore, #tpu.memory_space<semaphore_mem>>, %arg12: memref<!tpu.dma_semaphore, #tpu.memory_space<semaphore_mem>>) attributes {dimension_semantics = [#tpu.dimension_semantics<core_parallel>, #tpu.dimension_semantics<subcore_parallel>], iteration_bounds = array<i64: 2, 16>, scalar_prefetch = 0 : i64, scratch_operands = 7 : i64, tpu.core_type = #tpu.core_type<sc_vector_subcore>, window_params = [{transform_indices = #map}, {transform_indices = #map1}, {transform_indices = #map}, {transform_indices = #map2}]} {
    %mul3A = arith.constant 2 : i32
    %mul3A_0 = arith.muli %arg1, %mul3A : i32
    %add3A = arith.addi %mul3A_0, %arg0 : i32
    %mul3A_1 = arith.constant 6400 : i32
    %mul3A_2 = arith.muli %add3A, %mul3A_1 : i32
    %multiple_of3A = tpu.assume_multiple %mul3A_2, 8 : i32
    %mul3A_3 = arith.constant 32 : i32
    %mul3A_4 = arith.muli %add3A, %mul3A_3 : i32
    "tpu.region"() ({
      %run_scoped3A = tpu.sem_alloc : memref<!tpu.dma_semaphore, #tpu.memory_space<semaphore_mem>>
      %dma_start3A_88 = tpu.memref_slice %arg3[%multiple_of3A] : memref<204800xi32, #tpu.memory_space<hbm>> -> memref<6400xi32, #tpu.memory_space<hbm>>
      %dma_start3A_89 = tpu.memref_slice %arg3[%multiple_of3A] : memref<204800xi32, #tpu.memory_space<hbm>> -> memref<6400xi32, #tpu.memory_space<hbm>>
      tpu.enqueue_dma source(%dma_start3A_89 : memref<6400xi32, #tpu.memory_space<hbm>>) target(%arg6 : memref<6400xi32, #tpu.memory_space<vmem>>) target_semaphore(%run_scoped3A : memref<!tpu.dma_semaphore, #tpu.memory_space<semaphore_mem>>)
      %dma_wait3A_90 = tpu.memref_slice %arg3[%multiple_of3A] : memref<204800xi32, #tpu.memory_space<hbm>> -> memref<6400xi32, #tpu.memory_space<hbm>>
      %dma_wait3A_91 = tpu.memref_slice %arg3[%multiple_of3A] : memref<204800xi32, #tpu.memory_space<hbm>> -> memref<6400xi32, #tpu.memory_space<hbm>>
      tpu.wait_dma2 semaphore(%run_scoped3A : memref<!tpu.dma_semaphore, #tpu.memory_space<semaphore_mem>>) src(%dma_wait3A_91 : memref<6400xi32, #tpu.memory_space<hbm>>) dst(%arg6 : memref<6400xi32, #tpu.memory_space<vmem>>)
      tpu.yield
    }) : () -> ()
    "tpu.region"() ({
      %run_scoped3A = tpu.sem_alloc : memref<!tpu.dma_semaphore, #tpu.memory_space<semaphore_mem>>
      tpu.enqueue_dma source(%arg4 : memref<200x128xf32, #tpu.memory_space<hbm>>) target(%arg7 : memref<200x128xf32, #tpu.memory_space<vmem>>) target_semaphore(%run_scoped3A : memref<!tpu.dma_semaphore, #tpu.memory_space<semaphore_mem>>)
      tpu.wait_dma2 semaphore(%run_scoped3A : memref<!tpu.dma_semaphore, #tpu.memory_space<semaphore_mem>>) src(%arg4 : memref<200x128xf32, #tpu.memory_space<hbm>>) dst(%arg7 : memref<200x128xf32, #tpu.memory_space<vmem>>)
      tpu.yield
    }) : () -> ()
    %multiple_of3A_5 = arith.constant 0 : i32
    %multiple_of3A_6 = tpu.assume_multiple %multiple_of3A_5, 8 : i32
    %dma_start3A = arith.constant 0 : i32
    %dma_start3A_7 = arith.constant 0 : i32
    %dma_start3A_8 = arith.constant 0 : i32
    %dma_start3A_9 = tpu.memref_slice %arg8[%dma_start3A, %dma_start3A_7, %dma_start3A_8] : memref<2x200x128xf32, #tpu.memory_space<vmem>> -> memref<1x128x128xf32, #tpu.memory_space<vmem>>
    %dma_start3A_10 = tpu.memref_squeeze %dma_start3A_9 : memref<1x128x128xf32, #tpu.memory_space<vmem>> -> memref<128x128xf32, #tpu.memory_space<vmem>>
    %dma_start3A_11 = tpu.memref_slice %arg6[%multiple_of3A_6] : memref<6400xi32, #tpu.memory_space<vmem>> -> memref<128xi32, #tpu.memory_space<vmem>>
    %dma_start3A_12 = arith.constant 0 : i32
    %dma_start3A_13 = arith.constant 0 : i32
    %dma_start3A_14 = tpu.memref_slice %arg2[%dma_start3A_12, %dma_start3A_13] : memref<1000000x128xf32, #tpu.memory_space<hbm>> -> memref<1000000x128xf32, #tpu.memory_space<hbm>>
    tpu.enqueue_indirect_dma source(%dma_start3A_14 : memref<1000000x128xf32, #tpu.memory_space<hbm>>) target(%dma_start3A_10 : memref<128x128xf32, #tpu.memory_space<vmem>>) offsets(%dma_start3A_11 : memref<128xi32, #tpu.memory_space<vmem>>) semaphore(%arg9 : memref<!tpu.dma_semaphore, #tpu.memory_space<semaphore_mem>>)
    %add3A_15 = arith.constant 128 : i32
    %add3A_16 = arith.addi %multiple_of3A_6, %add3A_15 : i32
    %dma_start3A_17 = arith.constant 0 : i32
    %dma_start3A_18 = arith.constant 128 : i32
    %dma_start3A_19 = arith.constant 0 : i32
    %dma_start3A_20 = tpu.memref_slice %arg8[%dma_start3A_17, %dma_start3A_18, %dma_start3A_19] : memref<2x200x128xf32, #tpu.memory_space<vmem>> -> memref<1x72x128xf32, #tpu.memory_space<vmem>>
    %dma_start3A_21 = tpu.memref_squeeze %dma_start3A_20 : memref<1x72x128xf32, #tpu.memory_space<vmem>> -> memref<72x128xf32, #tpu.memory_space<vmem>>
    %dma_start3A_22 = tpu.memref_slice %arg6[%add3A_16] : memref<6400xi32, #tpu.memory_space<vmem>> -> memref<72xi32, #tpu.memory_space<vmem>>
    %dma_start3A_23 = arith.constant 0 : i32
    %dma_start3A_24 = arith.constant 0 : i32
    %dma_start3A_25 = tpu.memref_slice %arg2[%dma_start3A_23, %dma_start3A_24] : memref<1000000x128xf32, #tpu.memory_space<hbm>> -> memref<1000000x128xf32, #tpu.memory_space<hbm>>
    tpu.enqueue_indirect_dma source(%dma_start3A_25 : memref<1000000x128xf32, #tpu.memory_space<hbm>>) target(%dma_start3A_21 : memref<72x128xf32, #tpu.memory_space<vmem>>) offsets(%dma_start3A_22 : memref<72xi32, #tpu.memory_space<vmem>>) semaphore(%arg9 : memref<!tpu.dma_semaphore, #tpu.memory_space<semaphore_mem>>)
    %multiple_of3A_26 = arith.constant 200 : i32
    %multiple_of3A_27 = tpu.assume_multiple %multiple_of3A_26, 8 : i32
    %dma_start3A_28 = arith.constant 1 : i32
    %dma_start3A_29 = arith.constant 0 : i32
    %dma_start3A_30 = arith.constant 0 : i32
    %dma_start3A_31 = tpu.memref_slice %arg8[%dma_start3A_28, %dma_start3A_29, %dma_start3A_30] : memref<2x200x128xf32, #tpu.memory_space<vmem>> -> memref<1x128x128xf32, #tpu.memory_space<vmem>>
    %dma_start3A_32 = tpu.memref_squeeze %dma_start3A_31 : memref<1x128x128xf32, #tpu.memory_space<vmem>> -> memref<128x128xf32, #tpu.memory_space<vmem>>
    %dma_start3A_33 = tpu.memref_slice %arg6[%multiple_of3A_27] : memref<6400xi32, #tpu.memory_space<vmem>> -> memref<128xi32, #tpu.memory_space<vmem>>
    %dma_start3A_34 = arith.constant 0 : i32
    %dma_start3A_35 = arith.constant 0 : i32
    %dma_start3A_36 = tpu.memref_slice %arg2[%dma_start3A_34, %dma_start3A_35] : memref<1000000x128xf32, #tpu.memory_space<hbm>> -> memref<1000000x128xf32, #tpu.memory_space<hbm>>
    tpu.enqueue_indirect_dma source(%dma_start3A_36 : memref<1000000x128xf32, #tpu.memory_space<hbm>>) target(%dma_start3A_32 : memref<128x128xf32, #tpu.memory_space<vmem>>) offsets(%dma_start3A_33 : memref<128xi32, #tpu.memory_space<vmem>>) semaphore(%arg10 : memref<!tpu.dma_semaphore, #tpu.memory_space<semaphore_mem>>)
    %add3A_37 = arith.constant 128 : i32
    %add3A_38 = arith.addi %multiple_of3A_27, %add3A_37 : i32
    %dma_start3A_39 = arith.constant 1 : i32
    %dma_start3A_40 = arith.constant 128 : i32
    %dma_start3A_41 = arith.constant 0 : i32
    %dma_start3A_42 = tpu.memref_slice %arg8[%dma_start3A_39, %dma_start3A_40, %dma_start3A_41] : memref<2x200x128xf32, #tpu.memory_space<vmem>> -> memref<1x72x128xf32, #tpu.memory_space<vmem>>
    %dma_start3A_43 = tpu.memref_squeeze %dma_start3A_42 : memref<1x72x128xf32, #tpu.memory_space<vmem>> -> memref<72x128xf32, #tpu.memory_space<vmem>>
    %dma_start3A_44 = tpu.memref_slice %arg6[%add3A_38] : memref<6400xi32, #tpu.memory_space<vmem>> -> memref<72xi32, #tpu.memory_space<vmem>>
    %dma_start3A_45 = arith.constant 0 : i32
    %dma_start3A_46 = arith.constant 0 : i32
    %dma_start3A_47 = tpu.memref_slice %arg2[%dma_start3A_45, %dma_start3A_46] : memref<1000000x128xf32, #tpu.memory_space<hbm>> -> memref<1000000x128xf32, #tpu.memory_space<hbm>>
    tpu.enqueue_indirect_dma source(%dma_start3A_47 : memref<1000000x128xf32, #tpu.memory_space<hbm>>) target(%dma_start3A_43 : memref<72x128xf32, #tpu.memory_space<vmem>>) offsets(%dma_start3A_44 : memref<72xi32, #tpu.memory_space<vmem>>) semaphore(%arg10 : memref<!tpu.dma_semaphore, #tpu.memory_space<semaphore_mem>>)
    %scan3A = arith.constant 0 : i32
    %scan3A_48 = arith.constant 0 : i32
    %scan3A_49 = arith.constant 16 : i32
    %scan3A_50 = arith.addi %scan3A_48, %scan3A_49 : i32
    %scan3A_51 = arith.constant 1 : i32
    scf.for %scan3A_88 = %scan3A_48 to %scan3A_50 step %scan3A_51  : i32 {
      %mul3A_89 = arith.constant 2 : i32
      %mul3A_90 = arith.muli %scan3A_88, %mul3A_89 : i32
      %add3A_91 = arith.constant 0 : i32
      %add3A_92 = arith.addi %mul3A_90, %add3A_91 : i32
      %dma_wait3A_93 = arith.constant 0 : i32
      %dma_wait3A_94 = arith.constant 0 : i32
      %dma_wait3A_95 = arith.constant 0 : i32
      %dma_wait3A_96 = tpu.memref_slice %arg8[%dma_wait3A_93, %dma_wait3A_94, %dma_wait3A_95] : memref<2x200x128xf32, #tpu.memory_space<vmem>> -> memref<1x200x128xf32, #tpu.memory_space<vmem>>
      %dma_wait3A_97 = tpu.memref_squeeze %dma_wait3A_96 : memref<1x200x128xf32, #tpu.memory_space<vmem>> -> memref<200x128xf32, #tpu.memory_space<vmem>>
      %dma_wait3A_98 = arith.constant 0 : i32
      %dma_wait3A_99 = arith.constant 0 : i32
      %dma_wait3A_100 = tpu.memref_slice %arg2[%dma_wait3A_98, %dma_wait3A_99] : memref<1000000x128xf32, #tpu.memory_space<hbm>> -> memref<200x128xf32, #tpu.memory_space<hbm>>
      %dma_wait3A_101 = arith.constant 0 : i32
      %dma_wait3A_102 = arith.constant 0 : i32
      %dma_wait3A_103 = tpu.memref_slice %arg8[%dma_wait3A_93, %dma_wait3A_101, %dma_wait3A_102] : memref<2x200x128xf32, #tpu.memory_space<vmem>> -> memref<1x200x128xf32, #tpu.memory_space<vmem>>
      %dma_wait3A_104 = tpu.memref_squeeze %dma_wait3A_103 : memref<1x200x128xf32, #tpu.memory_space<vmem>> -> memref<200x128xf32, #tpu.memory_space<vmem>>
      %dma_wait3A_105 = arith.constant 0 : i32
      %dma_wait3A_106 = arith.constant 0 : i32
      %dma_wait3A_107 = tpu.memref_slice %arg2[%dma_wait3A_105, %dma_wait3A_106] : memref<1000000x128xf32, #tpu.memory_space<hbm>> -> memref<200x128xf32, #tpu.memory_space<hbm>>
      tpu.wait_dma2 semaphore(%arg9 : memref<!tpu.dma_semaphore, #tpu.memory_space<semaphore_mem>>) src(%dma_wait3A_107 : memref<200x128xf32, #tpu.memory_space<hbm>>) dst(%dma_wait3A_104 : memref<200x128xf32, #tpu.memory_space<vmem>>)
      %parallel_loop3A = arith.constant 0 : i32
      %parallel_loop3A_108 = arith.constant 200 : i32
      %parallel_loop3A_109 = arith.constant 1 : i32
      scf.for %parallel_loop3A_172 = %parallel_loop3A to %parallel_loop3A_108 step %parallel_loop3A_109  : i32 {
        %parallel_loop3A_173 = arith.index_cast %parallel_loop3A_172 : i32 to index
        %parallel_loop3A_174 = arith.constant 0 : index
        %parallel_loop3A_175 = tpu.vector_load %arg7[%parallel_loop3A_173, %parallel_loop3A_174] {strides = array<i32>} : memref<200x128xf32, #tpu.memory_space<vmem>>, vector<1x16xf32>,
        %parallel_loop3A_176 = vector.shape_cast %parallel_loop3A_175 : vector<1x16xf32> to vector<16xf32>
        %parallel_loop3A_177 = arith.constant 0 : i32
        %parallel_loop3A_178 = arith.index_cast %parallel_loop3A_177 : i32 to index
        %parallel_loop3A_179 = arith.index_cast %parallel_loop3A_172 : i32 to index
        %parallel_loop3A_180 = arith.constant 0 : index
        %parallel_loop3A_181 = tpu.vector_load %arg8[%parallel_loop3A_178, %parallel_loop3A_179, %parallel_loop3A_180] {strides = array<i32>} : memref<2x200x128xf32, #tpu.memory_space<vmem>>, vector<1x1x16xf32>,
        %parallel_loop3A_182 = vector.shape_cast %parallel_loop3A_181 : vector<1x1x16xf32> to vector<16xf32>
        %parallel_loop3A_183 = vector.shape_cast %parallel_loop3A_176 : vector<16xf32> to vector<1x1x16xf32>
        tpu.vector_store %arg8[%parallel_loop3A_178, %parallel_loop3A_179, %parallel_loop3A_180], %parallel_loop3A_183 {add = true, strides = array<i32>} : memref<2x200x128xf32, #tpu.memory_space<vmem>>, vector<1x1x16xf32>,
        %parallel_loop3A_184 = arith.index_cast %parallel_loop3A_172 : i32 to index
        %parallel_loop3A_185 = arith.constant 16 : index
        %parallel_loop3A_186 = tpu.vector_load %arg7[%parallel_loop3A_184, %parallel_loop3A_185] {strides = array<i32>} : memref<200x128xf32, #tpu.memory_space<vmem>>, vector<1x16xf32>,
        %parallel_loop3A_187 = vector.shape_cast %parallel_loop3A_186 : vector<1x16xf32> to vector<16xf32>
        %parallel_loop3A_188 = arith.constant 0 : i32
        %parallel_loop3A_189 = arith.index_cast %parallel_loop3A_188 : i32 to index
        %parallel_loop3A_190 = arith.index_cast %parallel_loop3A_172 : i32 to index
        %parallel_loop3A_191 = arith.constant 16 : index
        %parallel_loop3A_192 = tpu.vector_load %arg8[%parallel_loop3A_189, %parallel_loop3A_190, %parallel_loop3A_191] {strides = array<i32>} : memref<2x200x128xf32, #tpu.memory_space<vmem>>, vector<1x1x16xf32>,
        %parallel_loop3A_193 = vector.shape_cast %parallel_loop3A_192 : vector<1x1x16xf32> to vector<16xf32>
        %parallel_loop3A_194 = vector.shape_cast %parallel_loop3A_187 : vector<16xf32> to vector<1x1x16xf32>
        tpu.vector_store %arg8[%parallel_loop3A_189, %parallel_loop3A_190, %parallel_loop3A_191], %parallel_loop3A_194 {add = true, strides = array<i32>} : memref<2x200x128xf32, #tpu.memory_space<vmem>>, vector<1x1x16xf32>,
        %parallel_loop3A_195 = arith.index_cast %parallel_loop3A_172 : i32 to index
        %parallel_loop3A_196 = arith.constant 32 : index
        %parallel_loop3A_197 = tpu.vector_load %arg7[%parallel_loop3A_195, %parallel_loop3A_196] {strides = array<i32>} : memref<200x128xf32, #tpu.memory_space<vmem>>, vector<1x16xf32>,
        %parallel_loop3A_198 = vector.shape_cast %parallel_loop3A_197 : vector<1x16xf32> to vector<16xf32>
        %parallel_loop3A_199 = arith.constant 0 : i32
        %parallel_loop3A_200 = arith.index_cast %parallel_loop3A_199 : i32 to index
        %parallel_loop3A_201 = arith.index_cast %parallel_loop3A_172 : i32 to index
        %parallel_loop3A_202 = arith.constant 32 : index
        %parallel_loop3A_203 = tpu.vector_load %arg8[%parallel_loop3A_200, %parallel_loop3A_201, %parallel_loop3A_202] {strides = array<i32>} : memref<2x200x128xf32, #tpu.memory_space<vmem>>, vector<1x1x16xf32>,
        %parallel_loop3A_204 = vector.shape_cast %parallel_loop3A_203 : vector<1x1x16xf32> to vector<16xf32>
        %parallel_loop3A_205 = vector.shape_cast %parallel_loop3A_198 : vector<16xf32> to vector<1x1x16xf32>
        tpu.vector_store %arg8[%parallel_loop3A_200, %parallel_loop3A_201, %parallel_loop3A_202], %parallel_loop3A_205 {add = true, strides = array<i32>} : memref<2x200x128xf32, #tpu.memory_space<vmem>>, vector<1x1x16xf32>,
        %parallel_loop3A_206 = arith.index_cast %parallel_loop3A_172 : i32 to index
        %parallel_loop3A_207 = arith.constant 48 : index
        %parallel_loop3A_208 = tpu.vector_load %arg7[%parallel_loop3A_206, %parallel_loop3A_207] {strides = array<i32>} : memref<200x128xf32, #tpu.memory_space<vmem>>, vector<1x16xf32>,
        %parallel_loop3A_209 = vector.shape_cast %parallel_loop3A_208 : vector<1x16xf32> to vector<16xf32>
        %parallel_loop3A_210 = arith.constant 0 : i32
        %parallel_loop3A_211 = arith.index_cast %parallel_loop3A_210 : i32 to index
        %parallel_loop3A_212 = arith.index_cast %parallel_loop3A_172 : i32 to index
        %parallel_loop3A_213 = arith.constant 48 : index
        %parallel_loop3A_214 = tpu.vector_load %arg8[%parallel_loop3A_211, %parallel_loop3A_212, %parallel_loop3A_213] {strides = array<i32>} : memref<2x200x128xf32, #tpu.memory_space<vmem>>, vector<1x1x16xf32>,
        %parallel_loop3A_215 = vector.shape_cast %parallel_loop3A_214 : vector<1x1x16xf32> to vector<16xf32>
        %parallel_loop3A_216 = vector.shape_cast %parallel_loop3A_209 : vector<16xf32> to vector<1x1x16xf32>
        tpu.vector_store %arg8[%parallel_loop3A_211, %parallel_loop3A_212, %parallel_loop3A_213], %parallel_loop3A_216 {add = true, strides = array<i32>} : memref<2x200x128xf32, #tpu.memory_space<vmem>>, vector<1x1x16xf32>,
      } {sc.loop_unroll_factor = 4 : i64, sc.parallel_access}
      %add3A_110 = arith.addi %mul3A_4, %add3A_92 : i32
      %dma_start3A_111 = arith.constant 0 : i32
      %dma_start3A_112 = arith.constant 0 : i32
      %dma_start3A_113 = arith.constant 0 : i32
      %dma_start3A_114 = tpu.memref_slice %arg8[%dma_start3A_111, %dma_start3A_112, %dma_start3A_113] : memref<2x200x128xf32, #tpu.memory_space<vmem>> -> memref<1x200x128xf32, #tpu.memory_space<vmem>>
      %dma_start3A_115 = tpu.memref_squeeze %dma_start3A_114 : memref<1x200x128xf32, #tpu.memory_space<vmem>> -> memref<200x128xf32, #tpu.memory_space<vmem>>
      %dma_start3A_116 = arith.constant 0 : i32
      %dma_start3A_117 = arith.constant 0 : i32
      %dma_start3A_118 = tpu.memref_slice %arg5[%add3A_110, %dma_start3A_116, %dma_start3A_117] : memref<1024x200x128xf32, #tpu.memory_space<hbm>> -> memref<1x200x128xf32, #tpu.memory_space<hbm>>
      %dma_start3A_119 = tpu.memref_squeeze %dma_start3A_118 : memref<1x200x128xf32, #tpu.memory_space<hbm>> -> memref<200x128xf32, #tpu.memory_space<hbm>>
      %dma_start3A_120 = arith.constant 0 : i32
      %dma_start3A_121 = arith.constant 0 : i32
      %dma_start3A_122 = tpu.memref_slice %arg5[%add3A_110, %dma_start3A_120, %dma_start3A_121] : memref<1024x200x128xf32, #tpu.memory_space<hbm>> -> memref<1x200x128xf32, #tpu.memory_space<hbm>>
      %dma_start3A_123 = tpu.memref_squeeze %dma_start3A_122 : memref<1x200x128xf32, #tpu.memory_space<hbm>> -> memref<200x128xf32, #tpu.memory_space<hbm>>
      %dma_start3A_124 = arith.constant 0 : i32
      %dma_start3A_125 = arith.constant 0 : i32
      %dma_start3A_126 = tpu.memref_slice %arg8[%dma_start3A_111, %dma_start3A_124, %dma_start3A_125] : memref<2x200x128xf32, #tpu.memory_space<vmem>> -> memref<1x200x128xf32, #tpu.memory_space<vmem>>
      %dma_start3A_127 = tpu.memref_squeeze %dma_start3A_126 : memref<1x200x128xf32, #tpu.memory_space<vmem>> -> memref<200x128xf32, #tpu.memory_space<vmem>>
      tpu.enqueue_dma source(%dma_start3A_127 : memref<200x128xf32, #tpu.memory_space<vmem>>) target(%dma_start3A_123 : memref<200x128xf32, #tpu.memory_space<hbm>>) target_semaphore(%arg11 : memref<!tpu.dma_semaphore, #tpu.memory_space<semaphore_mem>>)
      %mul3A_128 = arith.constant 2 : i32
      %mul3A_129 = arith.muli %scan3A_88, %mul3A_128 : i32
      %add3A_130 = arith.constant 1 : i32
      %add3A_131 = arith.addi %mul3A_129, %add3A_130 : i32
      %dma_wait3A_132 = arith.constant 1 : i32
      %dma_wait3A_133 = arith.constant 0 : i32
      %dma_wait3A_134 = arith.constant 0 : i32
      %dma_wait3A_135 = tpu.memref_slice %arg8[%dma_wait3A_132, %dma_wait3A_133, %dma_wait3A_134] : memref<2x200x128xf32, #tpu.memory_space<vmem>> -> memref<1x200x128xf32, #tpu.memory_space<vmem>>
      %dma_wait3A_136 = tpu.memref_squeeze %dma_wait3A_135 : memref<1x200x128xf32, #tpu.memory_space<vmem>> -> memref<200x128xf32, #tpu.memory_space<vmem>>
      %dma_wait3A_137 = arith.constant 0 : i32
      %dma_wait3A_138 = arith.constant 0 : i32
      %dma_wait3A_139 = tpu.memref_slice %arg2[%dma_wait3A_137, %dma_wait3A_138] : memref<1000000x128xf32, #tpu.memory_space<hbm>> -> memref<200x128xf32, #tpu.memory_space<hbm>>
      %dma_wait3A_140 = arith.constant 0 : i32
      %dma_wait3A_141 = arith.constant 0 : i32
      %dma_wait3A_142 = tpu.memref_slice %arg8[%dma_wait3A_132, %dma_wait3A_140, %dma_wait3A_141] : memref<2x200x128xf32, #tpu.memory_space<vmem>> -> memref<1x200x128xf32, #tpu.memory_space<vmem>>
      %dma_wait3A_143 = tpu.memref_squeeze %dma_wait3A_142 : memref<1x200x128xf32, #tpu.memory_space<vmem>> -> memref<200x128xf32, #tpu.memory_space<vmem>>
      %dma_wait3A_144 = arith.constant 0 : i32
      %dma_wait3A_145 = arith.constant 0 : i32
      %dma_wait3A_146 = tpu.memref_slice %arg2[%dma_wait3A_144, %dma_wait3A_145] : memref<1000000x128xf32, #tpu.memory_space<hbm>> -> memref<200x128xf32, #tpu.memory_space<hbm>>
      tpu.wait_dma2 semaphore(%arg10 : memref<!tpu.dma_semaphore, #tpu.memory_space<semaphore_mem>>) src(%dma_wait3A_146 : memref<200x128xf32, #tpu.memory_space<hbm>>) dst(%dma_wait3A_143 : memref<200x128xf32, #tpu.memory_space<vmem>>)
      %parallel_loop3A_147 = arith.constant 0 : i32
      %parallel_loop3A_148 = arith.constant 200 : i32
      %parallel_loop3A_149 = arith.constant 1 : i32
      scf.for %parallel_loop3A_172 = %parallel_loop3A_147 to %parallel_loop3A_148 step %parallel_loop3A_149  : i32 {
        %parallel_loop3A_173 = arith.index_cast %parallel_loop3A_172 : i32 to index
        %parallel_loop3A_174 = arith.constant 0 : index
        %parallel_loop3A_175 = tpu.vector_load %arg7[%parallel_loop3A_173, %parallel_loop3A_174] {strides = array<i32>} : memref<200x128xf32, #tpu.memory_space<vmem>>, vector<1x16xf32>,
        %parallel_loop3A_176 = vector.shape_cast %parallel_loop3A_175 : vector<1x16xf32> to vector<16xf32>
        %parallel_loop3A_177 = arith.constant 1 : i32
        %parallel_loop3A_178 = arith.index_cast %parallel_loop3A_177 : i32 to index
        %parallel_loop3A_179 = arith.index_cast %parallel_loop3A_172 : i32 to index
        %parallel_loop3A_180 = arith.constant 0 : index
        %parallel_loop3A_181 = tpu.vector_load %arg8[%parallel_loop3A_178, %parallel_loop3A_179, %parallel_loop3A_180] {strides = array<i32>} : memref<2x200x128xf32, #tpu.memory_space<vmem>>, vector<1x1x16xf32>,
        %parallel_loop3A_182 = vector.shape_cast %parallel_loop3A_181 : vector<1x1x16xf32> to vector<16xf32>
        %parallel_loop3A_183 = vector.shape_cast %parallel_loop3A_176 : vector<16xf32> to vector<1x1x16xf32>
        tpu.vector_store %arg8[%parallel_loop3A_178, %parallel_loop3A_179, %parallel_loop3A_180], %parallel_loop3A_183 {add = true, strides = array<i32>} : memref<2x200x128xf32, #tpu.memory_space<vmem>>, vector<1x1x16xf32>,
        %parallel_loop3A_184 = arith.index_cast %parallel_loop3A_172 : i32 to index
        %parallel_loop3A_185 = arith.constant 16 : index
        %parallel_loop3A_186 = tpu.vector_load %arg7[%parallel_loop3A_184, %parallel_loop3A_185] {strides = array<i32>} : memref<200x128xf32, #tpu.memory_space<vmem>>, vector<1x16xf32>,
        %parallel_loop3A_187 = vector.shape_cast %parallel_loop3A_186 : vector<1x16xf32> to vector<16xf32>
        %parallel_loop3A_188 = arith.constant 1 : i32
        %parallel_loop3A_189 = arith.index_cast %parallel_loop3A_188 : i32 to index
        %parallel_loop3A_190 = arith.index_cast %parallel_loop3A_172 : i32 to index
        %parallel_loop3A_191 = arith.constant 16 : index
        %parallel_loop3A_192 = tpu.vector_load %arg8[%parallel_loop3A_189, %parallel_loop3A_190, %parallel_loop3A_191] {strides = array<i32>} : memref<2x200x128xf32, #tpu.memory_space<vmem>>, vector<1x1x16xf32>,
        %parallel_loop3A_193 = vector.shape_cast %parallel_loop3A_192 : vector<1x1x16xf32> to vector<16xf32>
        %parallel_loop3A_194 = vector.shape_cast %parallel_loop3A_187 : vector<16xf32> to vector<1x1x16xf32>
        tpu.vector_store %arg8[%parallel_loop3A_189, %parallel_loop3A_190, %parallel_loop3A_191], %parallel_loop3A_194 {add = true, strides = array<i32>} : memref<2x200x128xf32, #tpu.memory_space<vmem>>, vector<1x1x16xf32>,
        %parallel_loop3A_195 = arith.index_cast %parallel_loop3A_172 : i32 to index
        %parallel_loop3A_196 = arith.constant 32 : index
        %parallel_loop3A_197 = tpu.vector_load %arg7[%parallel_loop3A_195, %parallel_loop3A_196] {strides = array<i32>} : memref<200x128xf32, #tpu.memory_space<vmem>>, vector<1x16xf32>,
        %parallel_loop3A_198 = vector.shape_cast %parallel_loop3A_197 : vector<1x16xf32> to vector<16xf32>
        %parallel_loop3A_199 = arith.constant 1 : i32
        %parallel_loop3A_200 = arith.index_cast %parallel_loop3A_199 : i32 to index
        %parallel_loop3A_201 = arith.index_cast %parallel_loop3A_172 : i32 to index
        %parallel_loop3A_202 = arith.constant 32 : index
        %parallel_loop3A_203 = tpu.vector_load %arg8[%parallel_loop3A_200, %parallel_loop3A_201, %parallel_loop3A_202] {strides = array<i32>} : memref<2x200x128xf32, #tpu.memory_space<vmem>>, vector<1x1x16xf32>,
        %parallel_loop3A_204 = vector.shape_cast %parallel_loop3A_203 : vector<1x1x16xf32> to vector<16xf32>
        %parallel_loop3A_205 = vector.shape_cast %parallel_loop3A_198 : vector<16xf32> to vector<1x1x16xf32>
        tpu.vector_store %arg8[%parallel_loop3A_200, %parallel_loop3A_201, %parallel_loop3A_202], %parallel_loop3A_205 {add = true, strides = array<i32>} : memref<2x200x128xf32, #tpu.memory_space<vmem>>, vector<1x1x16xf32>,
        %parallel_loop3A_206 = arith.index_cast %parallel_loop3A_172 : i32 to index
        %parallel_loop3A_207 = arith.constant 48 : index
        %parallel_loop3A_208 = tpu.vector_load %arg7[%parallel_loop3A_206, %parallel_loop3A_207] {strides = array<i32>} : memref<200x128xf32, #tpu.memory_space<vmem>>, vector<1x16xf32>,
        %parallel_loop3A_209 = vector.shape_cast %parallel_loop3A_208 : vector<1x16xf32> to vector<16xf32>
        %parallel_loop3A_210 = arith.constant 1 : i32
        %parallel_loop3A_211 = arith.index_cast %parallel_loop3A_210 : i32 to index
        %parallel_loop3A_212 = arith.index_cast %parallel_loop3A_172 : i32 to index
        %parallel_loop3A_213 = arith.constant 48 : index
        %parallel_loop3A_214 = tpu.vector_load %arg8[%parallel_loop3A_211, %parallel_loop3A_212, %parallel_loop3A_213] {strides = array<i32>} : memref<2x200x128xf32, #tpu.memory_space<vmem>>, vector<1x1x16xf32>,
        %parallel_loop3A_215 = vector.shape_cast %parallel_loop3A_214 : vector<1x1x16xf32> to vector<16xf32>
        %parallel_loop3A_216 = vector.shape_cast %parallel_loop3A_209 : vector<16xf32> to vector<1x1x16xf32>
        tpu.vector_store %arg8[%parallel_loop3A_211, %parallel_loop3A_212, %parallel_loop3A_213], %parallel_loop3A_216 {add = true, strides = array<i32>} : memref<2x200x128xf32, #tpu.memory_space<vmem>>, vector<1x1x16xf32>,
      } {sc.loop_unroll_factor = 4 : i64, sc.parallel_access}
      %add3A_150 = arith.addi %mul3A_4, %add3A_131 : i32
      %dma_start3A_151 = arith.constant 1 : i32
      %dma_start3A_152 = arith.constant 0 : i32
      %dma_start3A_153 = arith.constant 0 : i32
      %dma_start3A_154 = tpu.memref_slice %arg8[%dma_start3A_151, %dma_start3A_152, %dma_start3A_153] : memref<2x200x128xf32, #tpu.memory_space<vmem>> -> memref<1x200x128xf32, #tpu.memory_space<vmem>>
      %dma_start3A_155 = tpu.memref_squeeze %dma_start3A_154 : memref<1x200x128xf32, #tpu.memory_space<vmem>> -> memref<200x128xf32, #tpu.memory_space<vmem>>
      %dma_start3A_156 = arith.constant 0 : i32
      %dma_start3A_157 = arith.constant 0 : i32
      %dma_start3A_158 = tpu.memref_slice %arg5[%add3A_150, %dma_start3A_156, %dma_start3A_157] : memref<1024x200x128xf32, #tpu.memory_space<hbm>> -> memref<1x200x128xf32, #tpu.memory_space<hbm>>
      %dma_start3A_159 = tpu.memref_squeeze %dma_start3A_158 : memref<1x200x128xf32, #tpu.memory_space<hbm>> -> memref<200x128xf32, #tpu.memory_space<hbm>>
      %dma_start3A_160 = arith.constant 0 : i32
      %dma_start3A_161 = arith.constant 0 : i32
      %dma_start3A_162 = tpu.memref_slice %arg5[%add3A_150, %dma_start3A_160, %dma_start3A_161] : memref<1024x200x128xf32, #tpu.memory_space<hbm>> -> memref<1x200x128xf32, #tpu.memory_space<hbm>>
      %dma_start3A_163 = tpu.memref_squeeze %dma_start3A_162 : memref<1x200x128xf32, #tpu.memory_space<hbm>> -> memref<200x128xf32, #tpu.memory_space<hbm>>
      %dma_start3A_164 = arith.constant 0 : i32
      %dma_start3A_165 = arith.constant 0 : i32
      %dma_start3A_166 = tpu.memref_slice %arg8[%dma_start3A_151, %dma_start3A_164, %dma_start3A_165] : memref<2x200x128xf32, #tpu.memory_space<vmem>> -> memref<1x200x128xf32, #tpu.memory_space<vmem>>
      %dma_start3A_167 = tpu.memref_squeeze %dma_start3A_166 : memref<1x200x128xf32, #tpu.memory_space<vmem>> -> memref<200x128xf32, #tpu.memory_space<vmem>>
      tpu.enqueue_dma source(%dma_start3A_167 : memref<200x128xf32, #tpu.memory_space<vmem>>) target(%dma_start3A_163 : memref<200x128xf32, #tpu.memory_space<hbm>>) target_semaphore(%arg12 : memref<!tpu.dma_semaphore, #tpu.memory_space<semaphore_mem>>)
      %add3A_168 = arith.constant 1 : i32
      %add3A_169 = arith.addi %scan3A_88, %add3A_168 : i32
      %lt3A = arith.constant 16 : i32
      %lt3A_170 = arith.cmpi slt, %add3A_169, %lt3A : i32
      %convert_element_type3A = arith.extui %lt3A_170 : i1 to i32
      %cond3A = arith.constant 0 : i32
      %cond3A_171 = arith.cmpi ne, %convert_element_type3A, %cond3A : i32
      scf.if %cond3A_171 {
        %dma_wait3A_172 = arith.constant 0 : i32
        %dma_wait3A_173 = arith.constant 0 : i32
        %dma_wait3A_174 = arith.constant 0 : i32
        %dma_wait3A_175 = arith.constant 0 : i32
        %dma_wait3A_176 = tpu.memref_slice %arg8[%dma_wait3A_172, %dma_wait3A_174, %dma_wait3A_175] : memref<2x200x128xf32, #tpu.memory_space<vmem>> -> memref<1x200x128xf32, #tpu.memory_space<vmem>>
        %dma_wait3A_177 = tpu.memref_squeeze %dma_wait3A_176 : memref<1x200x128xf32, #tpu.memory_space<vmem>> -> memref<200x128xf32, #tpu.memory_space<vmem>>
        %dma_wait3A_178 = arith.constant 0 : i32
        %dma_wait3A_179 = arith.constant 0 : i32
        %dma_wait3A_180 = tpu.memref_slice %arg5[%dma_wait3A_173, %dma_wait3A_178, %dma_wait3A_179] : memref<1024x200x128xf32, #tpu.memory_space<hbm>> -> memref<1x200x128xf32, #tpu.memory_space<hbm>>
        %dma_wait3A_181 = tpu.memref_squeeze %dma_wait3A_180 : memref<1x200x128xf32, #tpu.memory_space<hbm>> -> memref<200x128xf32, #tpu.memory_space<hbm>>
        %dma_wait3A_182 = arith.constant 0 : i32
        %dma_wait3A_183 = arith.constant 0 : i32
        %dma_wait3A_184 = tpu.memref_slice %arg5[%dma_wait3A_173, %dma_wait3A_182, %dma_wait3A_183] : memref<1024x200x128xf32, #tpu.memory_space<hbm>> -> memref<1x200x128xf32, #tpu.memory_space<hbm>>
        %dma_wait3A_185 = tpu.memref_squeeze %dma_wait3A_184 : memref<1x200x128xf32, #tpu.memory_space<hbm>> -> memref<200x128xf32, #tpu.memory_space<hbm>>
        %dma_wait3A_186 = arith.constant 0 : i32
        %dma_wait3A_187 = arith.constant 0 : i32
        %dma_wait3A_188 = tpu.memref_slice %arg8[%dma_wait3A_172, %dma_wait3A_186, %dma_wait3A_187] : memref<2x200x128xf32, #tpu.memory_space<vmem>> -> memref<1x200x128xf32, #tpu.memory_space<vmem>>
        %dma_wait3A_189 = tpu.memref_squeeze %dma_wait3A_188 : memref<1x200x128xf32, #tpu.memory_space<vmem>> -> memref<200x128xf32, #tpu.memory_space<vmem>>
        tpu.wait_dma2 semaphore(%arg11 : memref<!tpu.dma_semaphore, #tpu.memory_space<semaphore_mem>>) src(%dma_wait3A_189 : memref<200x128xf32, #tpu.memory_space<vmem>>) dst(%dma_wait3A_185 : memref<200x128xf32, #tpu.memory_space<hbm>>)
        %add3A_190 = arith.constant 1 : i32
        %add3A_191 = arith.addi %scan3A_88, %add3A_190 : i32
        %mul3A_192 = arith.constant 2 : i32
        %mul3A_193 = arith.muli %add3A_191, %mul3A_192 : i32
        %add3A_194 = arith.constant 0 : i32
        %add3A_195 = arith.addi %mul3A_193, %add3A_194 : i32
        %mul3A_196 = arith.constant 200 : i32
        %mul3A_197 = arith.muli %add3A_195, %mul3A_196 : i32
        %multiple_of3A_198 = tpu.assume_multiple %mul3A_197, 8 : i32
        %dma_start3A_199 = arith.constant 0 : i32
        %dma_start3A_200 = arith.constant 0 : i32
        %dma_start3A_201 = arith.constant 0 : i32
        %dma_start3A_202 = tpu.memref_slice %arg8[%dma_start3A_199, %dma_start3A_200, %dma_start3A_201] : memref<2x200x128xf32, #tpu.memory_space<vmem>> -> memref<1x128x128xf32, #tpu.memory_space<vmem>>
        %dma_start3A_203 = tpu.memref_squeeze %dma_start3A_202 : memref<1x128x128xf32, #tpu.memory_space<vmem>> -> memref<128x128xf32, #tpu.memory_space<vmem>>
        %dma_start3A_204 = tpu.memref_slice %arg6[%multiple_of3A_198] : memref<6400xi32, #tpu.memory_space<vmem>> -> memref<128xi32, #tpu.memory_space<vmem>>
        %dma_start3A_205 = arith.constant 0 : i32
        %dma_start3A_206 = arith.constant 0 : i32
        %dma_start3A_207 = tpu.memref_slice %arg2[%dma_start3A_205, %dma_start3A_206] : memref<1000000x128xf32, #tpu.memory_space<hbm>> -> memref<1000000x128xf32, #tpu.memory_space<hbm>>
        tpu.enqueue_indirect_dma source(%dma_start3A_207 : memref<1000000x128xf32, #tpu.memory_space<hbm>>) target(%dma_start3A_203 : memref<128x128xf32, #tpu.memory_space<vmem>>) offsets(%dma_start3A_204 : memref<128xi32, #tpu.memory_space<vmem>>) semaphore(%arg9 : memref<!tpu.dma_semaphore, #tpu.memory_space<semaphore_mem>>)
        %add3A_208 = arith.constant 128 : i32
        %add3A_209 = arith.addi %multiple_of3A_198, %add3A_208 : i32
        %dma_start3A_210 = arith.constant 0 : i32
        %dma_start3A_211 = arith.constant 128 : i32
        %dma_start3A_212 = arith.constant 0 : i32
        %dma_start3A_213 = tpu.memref_slice %arg8[%dma_start3A_210, %dma_start3A_211, %dma_start3A_212] : memref<2x200x128xf32, #tpu.memory_space<vmem>> -> memref<1x72x128xf32, #tpu.memory_space<vmem>>
        %dma_start3A_214 = tpu.memref_squeeze %dma_start3A_213 : memref<1x72x128xf32, #tpu.memory_space<vmem>> -> memref<72x128xf32, #tpu.memory_space<vmem>>
        %dma_start3A_215 = tpu.memref_slice %arg6[%add3A_209] : memref<6400xi32, #tpu.memory_space<vmem>> -> memref<72xi32, #tpu.memory_space<vmem>>
        %dma_start3A_216 = arith.constant 0 : i32
        %dma_start3A_217 = arith.constant 0 : i32
        %dma_start3A_218 = tpu.memref_slice %arg2[%dma_start3A_216, %dma_start3A_217] : memref<1000000x128xf32, #tpu.memory_space<hbm>> -> memref<1000000x128xf32, #tpu.memory_space<hbm>>
        tpu.enqueue_indirect_dma source(%dma_start3A_218 : memref<1000000x128xf32, #tpu.memory_space<hbm>>) target(%dma_start3A_214 : memref<72x128xf32, #tpu.memory_space<vmem>>) offsets(%dma_start3A_215 : memref<72xi32, #tpu.memory_space<vmem>>) semaphore(%arg9 : memref<!tpu.dma_semaphore, #tpu.memory_space<semaphore_mem>>)
        %dma_wait3A_219 = arith.constant 1 : i32
        %dma_wait3A_220 = arith.constant 0 : i32
        %dma_wait3A_221 = arith.constant 0 : i32
        %dma_wait3A_222 = arith.constant 0 : i32
        %dma_wait3A_223 = tpu.memref_slice %arg8[%dma_wait3A_219, %dma_wait3A_221, %dma_wait3A_222] : memref<2x200x128xf32, #tpu.memory_space<vmem>> -> memref<1x200x128xf32, #tpu.memory_space<vmem>>
        %dma_wait3A_224 = tpu.memref_squeeze %dma_wait3A_223 : memref<1x200x128xf32, #tpu.memory_space<vmem>> -> memref<200x128xf32, #tpu.memory_space<vmem>>
        %dma_wait3A_225 = arith.constant 0 : i32
        %dma_wait3A_226 = arith.constant 0 : i32
        %dma_wait3A_227 = tpu.memref_slice %arg5[%dma_wait3A_220, %dma_wait3A_225, %dma_wait3A_226] : memref<1024x200x128xf32, #tpu.memory_space<hbm>> -> memref<1x200x128xf32, #tpu.memory_space<hbm>>
        %dma_wait3A_228 = tpu.memref_squeeze %dma_wait3A_227 : memref<1x200x128xf32, #tpu.memory_space<hbm>> -> memref<200x128xf32, #tpu.memory_space<hbm>>
        %dma_wait3A_229 = arith.constant 0 : i32
        %dma_wait3A_230 = arith.constant 0 : i32
        %dma_wait3A_231 = tpu.memref_slice %arg5[%dma_wait3A_220, %dma_wait3A_229, %dma_wait3A_230] : memref<1024x200x128xf32, #tpu.memory_space<hbm>> -> memref<1x200x128xf32, #tpu.memory_space<hbm>>
        %dma_wait3A_232 = tpu.memref_squeeze %dma_wait3A_231 : memref<1x200x128xf32, #tpu.memory_space<hbm>> -> memref<200x128xf32, #tpu.memory_space<hbm>>
        %dma_wait3A_233 = arith.constant 0 : i32
        %dma_wait3A_234 = arith.constant 0 : i32
        %dma_wait3A_235 = tpu.memref_slice %arg8[%dma_wait3A_219, %dma_wait3A_233, %dma_wait3A_234] : memref<2x200x128xf32, #tpu.memory_space<vmem>> -> memref<1x200x128xf32, #tpu.memory_space<vmem>>
        %dma_wait3A_236 = tpu.memref_squeeze %dma_wait3A_235 : memref<1x200x128xf32, #tpu.memory_space<vmem>> -> memref<200x128xf32, #tpu.memory_space<vmem>>
        tpu.wait_dma2 semaphore(%arg12 : memref<!tpu.dma_semaphore, #tpu.memory_space<semaphore_mem>>) src(%dma_wait3A_236 : memref<200x128xf32, #tpu.memory_space<vmem>>) dst(%dma_wait3A_232 : memref<200x128xf32, #tpu.memory_space<hbm>>)
        %add3A_237 = arith.constant 1 : i32
        %add3A_238 = arith.addi %scan3A_88, %add3A_237 : i32
        %mul3A_239 = arith.constant 2 : i32
        %mul3A_240 = arith.muli %add3A_238, %mul3A_239 : i32
        %add3A_241 = arith.constant 1 : i32
        %add3A_242 = arith.addi %mul3A_240, %add3A_241 : i32
        %mul3A_243 = arith.constant 200 : i32
        %mul3A_244 = arith.muli %add3A_242, %mul3A_243 : i32
        %multiple_of3A_245 = tpu.assume_multiple %mul3A_244, 8 : i32
        %dma_start3A_246 = arith.constant 1 : i32
        %dma_start3A_247 = arith.constant 0 : i32
        %dma_start3A_248 = arith.constant 0 : i32
        %dma_start3A_249 = tpu.memref_slice %arg8[%dma_start3A_246, %dma_start3A_247, %dma_start3A_248] : memref<2x200x128xf32, #tpu.memory_space<vmem>> -> memref<1x128x128xf32, #tpu.memory_space<vmem>>
        %dma_start3A_250 = tpu.memref_squeeze %dma_start3A_249 : memref<1x128x128xf32, #tpu.memory_space<vmem>> -> memref<128x128xf32, #tpu.memory_space<vmem>>
        %dma_start3A_251 = tpu.memref_slice %arg6[%multiple_of3A_245] : memref<6400xi32, #tpu.memory_space<vmem>> -> memref<128xi32, #tpu.memory_space<vmem>>
        %dma_start3A_252 = arith.constant 0 : i32
        %dma_start3A_253 = arith.constant 0 : i32
        %dma_start3A_254 = tpu.memref_slice %arg2[%dma_start3A_252, %dma_start3A_253] : memref<1000000x128xf32, #tpu.memory_space<hbm>> -> memref<1000000x128xf32, #tpu.memory_space<hbm>>
        tpu.enqueue_indirect_dma source(%dma_start3A_254 : memref<1000000x128xf32, #tpu.memory_space<hbm>>) target(%dma_start3A_250 : memref<128x128xf32, #tpu.memory_space<vmem>>) offsets(%dma_start3A_251 : memref<128xi32, #tpu.memory_space<vmem>>) semaphore(%arg10 : memref<!tpu.dma_semaphore, #tpu.memory_space<semaphore_mem>>)
        %add3A_255 = arith.constant 128 : i32
        %add3A_256 = arith.addi %multiple_of3A_245, %add3A_255 : i32
        %dma_start3A_257 = arith.constant 1 : i32
        %dma_start3A_258 = arith.constant 128 : i32
        %dma_start3A_259 = arith.constant 0 : i32
        %dma_start3A_260 = tpu.memref_slice %arg8[%dma_start3A_257, %dma_start3A_258, %dma_start3A_259] : memref<2x200x128xf32, #tpu.memory_space<vmem>> -> memref<1x72x128xf32, #tpu.memory_space<vmem>>
        %dma_start3A_261 = tpu.memref_squeeze %dma_start3A_260 : memref<1x72x128xf32, #tpu.memory_space<vmem>> -> memref<72x128xf32, #tpu.memory_space<vmem>>
        %dma_start3A_262 = tpu.memref_slice %arg6[%add3A_256] : memref<6400xi32, #tpu.memory_space<vmem>> -> memref<72xi32, #tpu.memory_space<vmem>>
        %dma_start3A_263 = arith.constant 0 : i32
        %dma_start3A_264 = arith.constant 0 : i32
        %dma_start3A_265 = tpu.memref_slice %arg2[%dma_start3A_263, %dma_start3A_264] : memref<1000000x128xf32, #tpu.memory_space<hbm>> -> memref<1000000x128xf32, #tpu.memory_space<hbm>>
        tpu.enqueue_indirect_dma source(%dma_start3A_265 : memref<1000000x128xf32, #tpu.memory_space<hbm>>) target(%dma_start3A_261 : memref<72x128xf32, #tpu.memory_space<vmem>>) offsets(%dma_start3A_262 : memref<72xi32, #tpu.memory_space<vmem>>) semaphore(%arg10 : memref<!tpu.dma_semaphore, #tpu.memory_space<semaphore_mem>>)
      } else {
      }
    }
    %scan3A_52 = arith.constant 16 : i32
    %dma_wait3A = arith.constant 0 : i32
    %dma_wait3A_53 = arith.constant 0 : i32
    %dma_wait3A_54 = arith.constant 0 : i32
    %dma_wait3A_55 = arith.constant 0 : i32
    %dma_wait3A_56 = tpu.memref_slice %arg8[%dma_wait3A, %dma_wait3A_54, %dma_wait3A_55] : memref<2x200x128xf32, #tpu.memory_space<vmem>> -> memref<1x200x128xf32, #tpu.memory_space<vmem>>
    %dma_wait3A_57 = tpu.memref_squeeze %dma_wait3A_56 : memref<1x200x128xf32, #tpu.memory_space<vmem>> -> memref<200x128xf32, #tpu.memory_space<vmem>>
    %dma_wait3A_58 = arith.constant 0 : i32
    %dma_wait3A_59 = arith.constant 0 : i32
    %dma_wait3A_60 = tpu.memref_slice %arg5[%dma_wait3A_53, %dma_wait3A_58, %dma_wait3A_59] : memref<1024x200x128xf32, #tpu.memory_space<hbm>> -> memref<1x200x128xf32, #tpu.memory_space<hbm>>
    %dma_wait3A_61 = tpu.memref_squeeze %dma_wait3A_60 : memref<1x200x128xf32, #tpu.memory_space<hbm>> -> memref<200x128xf32, #tpu.memory_space<hbm>>
    %dma_wait3A_62 = arith.constant 0 : i32
    %dma_wait3A_63 = arith.constant 0 : i32
    %dma_wait3A_64 = tpu.memref_slice %arg5[%dma_wait3A_53, %dma_wait3A_62, %dma_wait3A_63] : memref<1024x200x128xf32, #tpu.memory_space<hbm>> -> memref<1x200x128xf32, #tpu.memory_space<hbm>>
    %dma_wait3A_65 = tpu.memref_squeeze %dma_wait3A_64 : memref<1x200x128xf32, #tpu.memory_space<hbm>> -> memref<200x128xf32, #tpu.memory_space<hbm>>
    %dma_wait3A_66 = arith.constant 0 : i32
    %dma_wait3A_67 = arith.constant 0 : i32
    %dma_wait3A_68 = tpu.memref_slice %arg8[%dma_wait3A, %dma_wait3A_66, %dma_wait3A_67] : memref<2x200x128xf32, #tpu.memory_space<vmem>> -> memref<1x200x128xf32, #tpu.memory_space<vmem>>
    %dma_wait3A_69 = tpu.memref_squeeze %dma_wait3A_68 : memref<1x200x128xf32, #tpu.memory_space<vmem>> -> memref<200x128xf32, #tpu.memory_space<vmem>>
    tpu.wait_dma2 semaphore(%arg11 : memref<!tpu.dma_semaphore, #tpu.memory_space<semaphore_mem>>) src(%dma_wait3A_69 : memref<200x128xf32, #tpu.memory_space<vmem>>) dst(%dma_wait3A_65 : memref<200x128xf32, #tpu.memory_space<hbm>>)
    %dma_wait3A_70 = arith.constant 1 : i32
    %dma_wait3A_71 = arith.constant 0 : i32
    %dma_wait3A_72 = arith.constant 0 : i32
    %dma_wait3A_73 = arith.constant 0 : i32
    %dma_wait3A_74 = tpu.memref_slice %arg8[%dma_wait3A_70, %dma_wait3A_72, %dma_wait3A_73] : memref<2x200x128xf32, #tpu.memory_space<vmem>> -> memref<1x200x128xf32, #tpu.memory_space<vmem>>
    %dma_wait3A_75 = tpu.memref_squeeze %dma_wait3A_74 : memref<1x200x128xf32, #tpu.memory_space<vmem>> -> memref<200x128xf32, #tpu.memory_space<vmem>>
    %dma_wait3A_76 = arith.constant 0 : i32
    %dma_wait3A_77 = arith.constant 0 : i32
    %dma_wait3A_78 = tpu.memref_slice %arg5[%dma_wait3A_71, %dma_wait3A_76, %dma_wait3A_77] : memref<1024x200x128xf32, #tpu.memory_space<hbm>> -> memref<1x200x128xf32, #tpu.memory_space<hbm>>
    %dma_wait3A_79 = tpu.memref_squeeze %dma_wait3A_78 : memref<1x200x128xf32, #tpu.memory_space<hbm>> -> memref<200x128xf32, #tpu.memory_space<hbm>>
    %dma_wait3A_80 = arith.constant 0 : i32
    %dma_wait3A_81 = arith.constant 0 : i32
    %dma_wait3A_82 = tpu.memref_slice %arg5[%dma_wait3A_71, %dma_wait3A_80, %dma_wait3A_81] : memref<1024x200x128xf32, #tpu.memory_space<hbm>> -> memref<1x200x128xf32, #tpu.memory_space<hbm>>
    %dma_wait3A_83 = tpu.memref_squeeze %dma_wait3A_82 : memref<1x200x128xf32, #tpu.memory_space<hbm>> -> memref<200x128xf32, #tpu.memory_space<hbm>>
    %dma_wait3A_84 = arith.constant 0 : i32
    %dma_wait3A_85 = arith.constant 0 : i32
    %dma_wait3A_86 = tpu.memref_slice %arg8[%dma_wait3A_70, %dma_wait3A_84, %dma_wait3A_85] : memref<2x200x128xf32, #tpu.memory_space<vmem>> -> memref<1x200x128xf32, #tpu.memory_space<vmem>>
    %dma_wait3A_87 = tpu.memref_squeeze %dma_wait3A_86 : memref<1x200x128xf32, #tpu.memory_space<vmem>> -> memref<200x128xf32, #tpu.memory_space<vmem>>
    tpu.wait_dma2 semaphore(%arg12 : memref<!tpu.dma_semaphore, #tpu.memory_space<semaphore_mem>>) src(%dma_wait3A_87 : memref<200x128xf32, #tpu.memory_space<vmem>>) dst(%dma_wait3A_83 : memref<200x128xf32, #tpu.memory_space<hbm>>)
    return
  }
}

</mosaic_0001>

<sc_bundles>
// kernel: kernel.3.cloned.1.call-start
scs
__scs_entry_jumppad:
0x0: {  	(pc) =	sbr.rel $0x88, $3  }
0x1: {  	(tag) =	ssettag $0x0;
	lr =	simm.s32 $0x1  }
0x2: {  	[smem:$0x3F9F] =	sst lr;
	_ =	strace $0xD0000000  }
0x3: {  	_ = 	snop  }
0x4: {  	_ = 	snop  }
0x5: {  	_ = 	snop  }
0x6: {  	_ = 	snop  }
0x7: {  	_ = 	snop  }
__scs_overlays_trampoline_lowered:
0x8: {  	[smem:$0x3FAE] =	sst s0  }
0x9: {  	[smem:$0x3FAF] =	sst s1  }
0xa: {  	[smem:$0x3FB0] =	sst s2  }
0xb: {  	[smem:$0x3FB1] =	sst s3  }
0xc: {  	[smem:$0x3FB2] =	sst s4  }
0xd: {  	[smem:$0x3FB3] =	sst s5  }
0xe: {  	[smem:$0x3FB4] =	sst s6  }
0xf: {  	[smem:$0x3FB5] =	sst s7  }
0x10: {  	[smem:$0x3FB6] =	sst s8  }
0x11: {  	[smem:$0x3FB7] =	sst s9;
	s0 =	simm.s32 @!p0 $0x0  }
0x12: {  	s1 =	sld [smem:$0x3F9D];
	s0 =	simm.s32 @p0 $0x1  }
0x13: {  	[smem:$0x3FB8] =	sst s0;
	s0 =	simm.s32 @!p1 $0x0  }
0x14: {  	s2 =	sld [smem:$0x3F9C];
	s0 =	simm.s32 @p1 $0x1  }
0x15: {  	[smem:$0x3FB9] =	sst s0;
	s0 =	simm.s32 @!p2 $0x0  }
0x16: {  	s3 =	sld [smem:$0x3FDB];
	s0 =	simm.s32 @p2 $0x1  }
0x17: {  	s4 =	simm.s32 $0x1BF5;
	[smem:$0x3FBB] =	sst s0  }
0x18: {  	s0 =	sld [smem:$0x3F9E];
	_ =	swait.ge [sflag:s4], $0x0  }
0x19: {  	s7 =	sld [smem:$0x3F9F]  }
0x1a: {  	s8 =	sadd.s32 $0xFFFFE003, lr  }
0x1b: {  	s9 =	sadd.s32 $0xFFFFFEF7, lr;
	s5 =	simm.s32 $0xFFFFFFFF;
	p2 =	slt.u32 s8, $0xFFFFF086  }
0x1c: {  	p1 =	slt.u32 s9, $0xF7A;
	s5 =	simm.s32 @!p2 $0x0  }
0x1d: {  	s5 =	simm.s32 @p1 $0x1;
	p0 =	seq.s32 s7, s2  }
0x1e: {  	s7 =	smul.u32 @!p0 $0xF7A, s2;
	p2 =	seq.s32 @!p0 s5, $0x0  }
0x1f: {  	s9 =	smul.u32 $0xF7A, s1;
	s8 =	simm.s32 @!p0 $0x1BF5;
	p2 =	por !p2, p0  }
0x20: {  	[sflag:s8] =	ssyncset.s32 @!p0 $0xFFFFF086;
	s6 =	sadd.s32 @!p0 s3, s7;
	s7 =	simm.s32 @!p0 $0x108  }
0x21: {  	s3 =	sadd.s32 s3, s9;
	s6 =	sadd.s32 @!p0 $0x88, s6;
	s7 =	simm.s32 @p2 $0x1082  }
0x22: {  	[simem:s7], [sflag:s8] =	dma.local @!p0 [hbm:s6], $0xF7A  }
0x23: {  	s9 =	sor.u32 $0xD0000000, s2;
	s6 =	simm.s32 $0x108;
	_ =	swait.ge @!p0 [sflag:s8], $0x0  }
0x24: {  	s3 =	sadd.s32 $0x88, s3;
	s6 =	simm.s32 @!p1 $0x1082;
	[sflag:s4] =	ssyncset.s32 $0xFFFFF086  }
0x25: {  	[simem:s6], [sflag:s4] =	dma.local [hbm:s3], $0xF7A  }
0x26: {  	[smem:$0x3F9F] =	sst s1;
	(tag) =	ssettag s2;
	_ =	strace s9  }
0x27: {  	s1 =	sld [smem:$0x3FAF]  }
0x28: {  	s2 =	sld [smem:$0x3FB0]  }
0x29: {  	s4 =	sld [smem:$0x3FB2]  }
0x2a: {  	p0 =	seq.s32 s5, $0x0;
	s5 =	sld [smem:$0x3FB3]  }
0x2b: {  	s6 =	sld [smem:$0x3FB4]  }
0x2c: {  	s7 =	sld [smem:$0x3FB5]  }
0x2d: {  	s3 =	simm.s32 $0x108;
	s8 =	sld [smem:$0x3FB6]  }
0x2e: {  	s3 =	simm.s32 @!p0 $0x1082;
	s9 =	sld [smem:$0x3FB7]  }
0x2f: {  	lr =	sadd.s32 s0, s3;
	s0 =	sld [smem:$0x3FAE]  }
0x30: {  	s3 =	sld [smem:$0x3FB1]  }
0x31: {  	[smem:$0x3FBA] =	sst s10  }
0x32: {  	s10 =	sld [smem:$0x3FB8];
	_ =	sdelay $0x3  }
0x33: {  	p0 =	seq.s32 s10, $0x1;
	s10 =	sld [smem:$0x3FBA];
	_ =	sdelay $0x3  }
0x34: {  	[smem:$0x3FBA] =	sst s10  }
0x35: {  	s10 =	sld [smem:$0x3FB9];
	_ =	sdelay $0x3  }
0x36: {  	p1 =	seq.s32 s10, $0x1;
	s10 =	sld [smem:$0x3FBA];
	_ =	sdelay $0x3  }
0x37: {  	[smem:$0x3FBA] =	sst s10  }
0x38: {  	s10 =	sld [smem:$0x3FBB]  }
0x39: {  	_ = 	snop;
	(pc) =	sbr.ind lr, $3  }
0x3a: {  	_ = 	snop  }
0x3b: {  	_ = 	snop  }
0x3c: {  	p2 =	seq.s32 s10, $0x1;
	s10 =	sld [smem:$0x3FBA]  }
0x3d: {  	_ =	shalt  }
0x3e: {  	_ =	shalt  }
0x3f: {  	_ =	shalt  }
0x40: {  	_ =	shalt  }
0x41: {  	_ =	shalt  }
0x42: {  	_ =	shalt  }
0x43: {  	_ =	shalt  }
0x44: {  	_ =	shalt  }
0x45: {  	_ =	shalt  }
0x46: {  	_ =	shalt  }
0x47: {  	_ =	shalt  }
0x48: {  	_ =	shalt  }
0x49: {  	_ =	shalt  }
0x4a: {  	_ =	shalt  }
0x4b: {  	_ =	shalt  }
0x4c: {  	_ =	shalt  }
0x4d: {  	_ =	shalt  }
0x4e: {  	_ =	shalt  }
0x4f: {  	_ =	shalt  }
0x50: {  	_ =	shalt  }
0x51: {  	_ =	shalt  }
0x52: {  	_ =	shalt  }
0x53: {  	_ =	shalt  }
0x54: {  	_ =	shalt  }
0x55: {  	_ =	shalt  }
0x56: {  	_ =	shalt  }
0x57: {  	_ =	shalt  }
0x58: {  	_ =	shalt  }
0x59: {  	_ =	shalt  }
0x5a: {  	_ =	shalt  }
0x5b: {  	_ =	shalt  }
0x5c: {  	_ =	shalt  }
0x5d: {  	_ =	shalt  }
0x5e: {  	_ =	shalt  }
0x5f: {  	_ =	shalt  }
0x60: {  	_ =	shalt  }
0x61: {  	_ =	shalt  }
0x62: {  	_ =	shalt  }
0x63: {  	_ =	shalt  }
0x64: {  	_ =	shalt  }
0x65: {  	_ =	shalt  }
0x66: {  	_ =	shalt  }
0x67: {  	_ =	shalt  }
0x68: {  	_ =	shalt  }
0x69: {  	_ =	shalt  }
0x6a: {  	_ =	shalt  }
0x6b: {  	_ =	shalt  }
0x6c: {  	_ =	shalt  }
0x6d: {  	_ =	shalt  }
0x6e: {  	_ =	shalt  }
0x6f: {  	_ =	shalt  }
0x70: {  	_ =	shalt  }
0x71: {  	_ =	shalt  }
0x72: {  	_ =	shalt  }
0x73: {  	_ =	shalt  }
0x74: {  	_ =	shalt  }
0x75: {  	_ =	shalt  }
0x76: {  	_ =	shalt  }
0x77: {  	_ =	shalt  }
0x78: {  	_ =	shalt  }
0x79: {  	_ =	shalt  }
0x7a: {  	_ =	shalt  }
0x7b: {  	_ =	shalt  }
0x7c: {  	_ =	shalt  }
0x7d: {  	_ =	shalt  }
0x7e: {  	_ =	shalt  }
0x7f: {  	_ =	shalt  }
0x80: {  	_ =	shalt  }
0x81: {  	_ =	shalt  }
0x82: {  	_ =	shalt  }
0x83: {  	_ =	shalt  }
0x84: {  	_ =	shalt  }
0x85: {  	_ =	shalt  }
0x86: {  	_ =	shalt  }
0x87: {  	_ =	shalt  }
.Lfunc_end0:
.L_simem_size_0:
called_computation.1_lowered:
.L_overlay_start_0:
0x88: {  	s2 =	sld [smem:$0x3FD9]  }
0x89: {  	s3 =	sld [smem:$0x3FFE];
	_ =	sdelay $0x1  }
0x8a: {  	s1 =	srdreg.scid  }
0x8b: {  	s0 =	sand.u32 $0x1, s1  }
0x8c: {  	s17 =	sshll.u32 s0, $0xA;
	s2 =	sadd.s32 s3, s2  }
0x8d: {  	s2 =	sadd.s32 s2, s17  }
0x8e: {  	[smem:$0x3FC6] =	sst s2  }
0x8f: {  	_ = 	snop  }
0x90: {  	s2 =	sld [smem:$0x3FD0];
	(tm) =	ssettm $0x1  }
0x91: {  	s18 =	sld [smem:$0x3FFB];
	_ =	sdelay $0x3  }
0x92: {  	_ =	strace s18  }
0x93: {  	s3 =	sld [smem:$0x3FFC];
	_ =	sdelay $0x3  }
0x94: {  	_ =	strace s3  }
0x95: {  	s3 =	sld [smem:$0x3FFD];
	_ =	sdelay $0x3  }
0x96: {  	_ =	strace s3  }
0x97: {  	_ =	strace $0x8FFFFFFF  }
0x98: {  	s19 =	sld [smem:$0x3FDB];
	_ =	sdelay $0x1  }
0x99: {  	s4 =	simm.s32 $_scs_section_size  }
0x9a: {  	s5 =	simm.s32 $_size__tile_overlayer_lowered;
	s6 =	simm.s32 $_tile_overlayer_lowered  }
0x9b: {  	s22 =	simm.s32 $0x1BFF;
	s21 =	sshll.u32 s6, $0x1;
	s3 =	sadd.s32 s4, s19  }
0x9c: {  	s7 =	simm.s32 $0x0;
	s20 =	sshll.u32 s5, $0x1;
	s5 =	sadd.s32 s21, s3  }
0x9d: {  	[timem:s7], [sflag:s22] =	dma.local [hbm:s5], s20  }
0x9e: {  	_ =	swait.ge [sflag:s22], s20  }
0x9f: {  	s4 =	ssub.s32 $0x0, s20;
	[sflag:s22] =	ssyncset.done $0x0  }
0xa0: {  	[sflag:s22] =	ssyncadd.s32 s4;
	_ =	sdelay $0x1  }
0xa1: {  	s23 =	simm.s32 $0x1B8B  }
0xa2: {  	_ =	swait.ge [sflag:s23], $0x1  }
0xa3: {  	[sflag:s23] =	ssyncset.done $0x0  }
0xa4: {  	s25 =	simm.s32 $0x1B8E;
	s24 =	sld [smem:$0x3FFE];
	[sflag:s23] =	ssyncadd.s32 $0xFFFFFFFF  }
0xa5: {  	s26 =	simm.s32 $execute0_lowered;
	[smem:$0x3FD2] =	sst s25  }
0xa6: {  	s5 =	sshll.u32 s26, $0x1;
	_ =	strace $0x80000046;
	[dreg:$0x1] =	wrdreg $0xFFFFFFFF  }
0xa7: {  	s28 =	simm.s32 $_size_execute0_lowered;
	s3 =	sadd.s32 s3, s5;
	[dreg:$0x0] =	wrdreg $0x0  }
0xa8: {  	s5 =	sshll.u32 s28, $0x1;
	[dreg:$0x2] =	wrdreg s3  }
0xa9: {  	[dreg:$0x3] =	wrdreg s5  }
0xaa: {  	[dreg:$0x4] =	wrdreg $0xC0  }
0xab: {  	_ =	task [dreg:s7], $0x5FFFF  }
0xac: {  	[dreg:$0x1] =	wrdreg $0xFFFFFFFF  }
0xad: {  	[dreg:$0x0] =	wrdreg $0x60  }
0xae: {  	[dreg:$0x2] =	wrdreg s24  }
0xaf: {  	[dreg:$0x3] =	wrdreg s2  }
0xb0: {  	[dreg:$0x4] =	wrdreg $0x9  }
0xb1: {  	_ =	task.clear_ibuf [dreg:s7], $0x5FFFF;
	_ =	strace $0x90000046  }
0xb2: {  	s29 =	simm.s32 $0x9;
	_ =	strace $0x80000048  }
0xb3: {  	_ =	swait.ge [sflag:s29], $0x1  }
0xb4: {  	[sflag:s29] =	ssyncadd.s32 $0xFFFFFFFF  }
0xb5: {  	_ =	strace $0x90000048  }
0xb6: {  	_ =	sfence  }
0xb7: {  	s30 =	sld [smem:$0x0];
	_ =	sdelay $0x2  }
0xb8: {  	s31 =	sshll.u32 s1, $0xD;
	s1 =	sshrl.u32 s1, $0x2  }
0xb9: {  	s3 =	sand.u32 $0x4000, s31;
	s1 =	sadd.s32 s1, s30  }
0xba: {  	s0 =	sor.u32 s3, s0;
	s1 =	sshll.u32 s1, $0x11  }
0xbb: {  	s0 =	sor.u32 s1, s0  }
0xbc: {  	s0 =	sadd.s32 $0x8F2B, s0  }
0xbd: {  	[sflag:s0] =	ssyncadd.remote.s32 $0x1  }
0xbe: {  	_ =	sfence.sel $0xFFFF  }
0xbf: {  	[dreg:$0x0] =	wrdreg $0xFFFFFFFF;
	(pc) =	sbr.abs _section_cstart, $3  }
0xc0: {  	[dreg:$0x1] =	wrdreg $0xFFFFFFFF  }
0xc1: {  	_ =	task.clear_ibuf [dreg:s7], $0x2FFFF;
	_ =	strace $0x9FFFFFFF  }
0xc2: {  	(tm) =	ssettm $0x7FFFFFFF  }
0xc3: {  	_ =	shalt  }
tec
execute0_lowered:
.L_overlay_start_1:
0x0: {  	(tag) =	ssettag $0x1  }
0x1: {  	s5 =	rddreg [dreg:$0x0]  }
0x2: {  	s7 =	rddreg [dreg:$0x1]  }
0x3: {  	s0 =	rddreg [dreg:$0x2]  }
0x4: {  	s2 =	simm.s32 $0x0;
	s3 =	srdreg.scid;
	s1 =	stileid.u32  }
0x5: {  	s11 =	simm.s32 $0x80;
	s12 =	simm.s32 $0x7D00;
	s13 =	simm.s32 $0x48  }
0x6: {  	s14 =	simm.s32 $0xBD00;
	s15 =	simm.s32 $0xC8;
	s16 =	simm.s32 $0xE100  }
0x7: {  	s17 =	simm.s32 $0x148;
	s18 =	simm.s32 $0x12100;
	s19 =	simm.s32 $0x1  }
0x8: {  	s20 =	simm.s32 $0x2;
	s21 =	simm.s32 $0x3;
	s22 =	simm.s32 $0x4  }
0x9: {  	[smem:$0x7FF] =	sst s2;
	s3 =	sand.u32 $0x1, s3;
	s4 =	sshll.u32 s1, $0x1  }
0xa: {  	s23 =	simm.s32 $0x0;
	_ =	strace $0x80000047;
	s8 =	sor.u32 s3, s4  }
0xb: {  	s6 =	ssub.s32 $0x2, s3;
	s3 =	sadd.s32 $0xF43000, s5;
	s10 =	smul.u32 $0x320, s8  }
0xc: {  	s4 =	sadd.s32 $0x600, s5;
	s5 =	sadd.s32 $0x1400, s5;
	s9 =	sshrl.u32 s6, $0x1  }
0xd: {  	s9 =	ssub.s32 s6, s9;
	s6 =	sshll.u32 s8, $0x5;
	s7 =	sadd.s32 s7, s10  }
0xe: {  	s8 =	smax.u32 s9, $0x1;
	s9 =	simm.s32 $0x5;
	s10 =	simm.s32 $0x1900  }
.LBB2_1:
0xf: {  	[tilespmem:s2], [sflag:$0x5] =	stream.linear.gather [hbm4b:s7+s2], $0x1900, $0x38;
	[tilespmem:$0x14500] =	vst v63  }
0x10: {  	_ =	swait.ge [sflag:s9], $0x1900  }
0x11: {  	[sflag:s9] =	ssyncset.done $0x0  }
0x12: {  	[sflag:s9] =	ssyncadd.s32 $0xFFFFE700  }
0x13: {  	[tilespmem:s10], [sflag:$0x5] =	stream.linear.gather [hbm4b:s4+s2], $0x6400, $0x38;
	[tilespmem:$0x14500] =	vst v63  }
0x14: {  	_ =	swait.ge [sflag:s9], $0x6400  }
0x15: {  	[sflag:s9] =	ssyncset.done $0x0  }
0x16: {  	[sflag:s9] =	ssyncadd.s32 $0xFFFF9C00  }
0x17: {  	[tilespmem:s12], [sflag:$0x1] =	stream.indirect.gather [hbm4b:s3+s11], $0x80, s2, s11, $0xb8;
	[tilespmem:$0x14500] =	vst v63  }
0x18: {  	_ = 	snop  }
0x19: {  	[tilespmem:s14], [sflag:$0x1] =	stream.indirect.gather [hbm4b:s3+s13], $0x80, s11, s13, $0xb8;
	[tilespmem:$0x14500] =	vst v63  }
0x1a: {  	_ = 	snop  }
0x1b: {  	[tilespmem:s16], [sflag:$0x2] =	stream.indirect.gather [hbm4b:s3+s11], $0x80, s15, s11, $0xb8;
	[tilespmem:$0x14500] =	vst v63  }
0x1c: {  	s24 =	simm.s32 $0x0  }
0x1d: {  	[tilespmem:s18], [sflag:$0x2] =	stream.indirect.gather [hbm4b:s3+s13], $0x80, s17, s13, $0xb8;
	[tilespmem:$0x14500] =	vst v63  }
.LBB2_2:
0x1e: {  	_ =	swait.ge [sflag:s19], $0x6400  }
0x1f: {  	[sflag:s19] =	ssyncset.done $0x0  }
0x20: {  	s26 =	simm.s32 $0x0;
	[sflag:s19] =	ssyncadd.s32 $0xFFFF9C00  }
0x21: {  	v0 =	vld [tilespmem:s26+$0x1AB0]  }
0x22: {  	v1 =	vld [tilespmem:s26+$0x1900]  }
0x23: {  	v2 =	vld [tilespmem:s26+$0x1910]  }
0x24: {  	v3 =	vld [tilespmem:s26+$0x1920]  }
0x25: {  	v4 =	vld [tilespmem:s26+$0x1930]  }
0x26: {  	v5 =	vld [tilespmem:s26+$0x1980]  }
0x27: {  	v6 =	vld [tilespmem:s26+$0x1990]  }
0x28: {  	v7 =	vld [tilespmem:s26+$0x19A0]  }
0x29: {  	v8 =	vld [tilespmem:s26+$0x19B0]  }
0x2a: {  	v9 =	vld [tilespmem:s26+$0x1A00]  }
0x2b: {  	v10 =	vld [tilespmem:s26+$0x1A10]  }
0x2c: {  	v11 =	vld [tilespmem:s26+$0x1A20]  }
0x2d: {  	v12 =	vld [tilespmem:s26+$0x1A30]  }
0x2e: {  	v13 =	vld [tilespmem:s26+$0x1A80]  }
0x2f: {  	v14 =	vld [tilespmem:s26+$0x1A90]  }
0x30: {  	[tilespmem:s26+$0x7EB0] =	vst.add.f32.msk $0xffff, v0  }
0x31: {  	v0 =	vld [tilespmem:s26+$0x1AA0]  }
0x32: {  	[tilespmem:s26+$0x7D00] =	vst.add.f32.msk $0xffff, v1  }
0x33: {  	[tilespmem:s26+$0x7D10] =	vst.add.f32.msk $0xffff, v2  }
0x34: {  	[tilespmem:s26+$0x7D20] =	vst.add.f32.msk $0xffff, v3  }
0x35: {  	[tilespmem:s26+$0x7D30] =	vst.add.f32.msk $0xffff, v4  }
0x36: {  	[tilespmem:s26+$0x7D80] =	vst.add.f32.msk $0xffff, v5  }
0x37: {  	[tilespmem:s26+$0x7D90] =	vst.add.f32.msk $0xffff, v6  }
0x38: {  	[tilespmem:s26+$0x7DA0] =	vst.add.f32.msk $0xffff, v7  }
0x39: {  	[tilespmem:s26+$0x7DB0] =	vst.add.f32.msk $0xffff, v8  }
0x3a: {  	[tilespmem:s26+$0x7E00] =	vst.add.f32.msk $0xffff, v9  }
0x3b: {  	[tilespmem:s26+$0x7E10] =	vst.add.f32.msk $0xffff, v10  }
0x3c: {  	[tilespmem:s26+$0x7E20] =	vst.add.f32.msk $0xffff, v11  }
0x3d: {  	[tilespmem:s26+$0x7E30] =	vst.add.f32.msk $0xffff, v12  }
0x3e: {  	[tilespmem:s26+$0x7E80] =	vst.add.f32.msk $0xffff, v13  }
0x3f: {  	s25 =	simm.s32 $0x0;
	s28 =	simm.s32 $0x800;
	[tilespmem:s26+$0x7E90] =	vst.add.f32.msk $0xffff, v14  }
.LBB2_3:
0x40: {  	s25 =	sadd.s32 $0x4, s25;
	[tilespmem:s26+$0x7EA0] =	vst.add.f32.msk $0xffff, v0;
	s26 =	sshra.s32 s28, $0x2  }
0x41: {  	v0 =	vld [tilespmem:s26+$0x1AB0];
	p0 =	slt.u32 s25, $0xC4  }
0x42: {  	v1 =	vld [tilespmem:s26+$0x1900]  }
0x43: {  	v2 =	vld [tilespmem:s26+$0x1910]  }
0x44: {  	v3 =	vld [tilespmem:s26+$0x1920]  }
0x45: {  	v4 =	vld [tilespmem:s26+$0x1930]  }
0x46: {  	[tilespmem:s26+$0x7EB0] =	vst.add.f32.msk $0xffff, v0  }
0x47: {  	v5 =	vld [tilespmem:s26+$0x1980]  }
0x48: {  	v6 =	vld [tilespmem:s26+$0x1990]  }
0x49: {  	v7 =	vld [tilespmem:s26+$0x19A0]  }
0x4a: {  	v8 =	vld [tilespmem:s26+$0x19B0]  }
0x4b: {  	v9 =	vld [tilespmem:s26+$0x1A00]  }
0x4c: {  	v10 =	vld [tilespmem:s26+$0x1A10]  }
0x4d: {  	v11 =	vld [tilespmem:s26+$0x1A20]  }
0x4e: {  	v12 =	vld [tilespmem:s26+$0x1A30]  }
0x4f: {  	v13 =	vld [tilespmem:s26+$0x1A80]  }
0x50: {  	v14 =	vld [tilespmem:s26+$0x1A90]  }
0x51: {  	v0 =	vld [tilespmem:s26+$0x1AA0]  }
0x52: {  	[tilespmem:s26+$0x7D00] =	vst.add.f32.msk $0xffff, v1  }
0x53: {  	[tilespmem:s26+$0x7D10] =	vst.add.f32.msk $0xffff, v2  }
0x54: {  	[tilespmem:s26+$0x7D20] =	vst.add.f32.msk $0xffff, v3  }
0x55: {  	[tilespmem:s26+$0x7D30] =	vst.add.f32.msk $0xffff, v4  }
0x56: {  	[tilespmem:s26+$0x7D80] =	vst.add.f32.msk $0xffff, v5  }
0x57: {  	[tilespmem:s26+$0x7D90] =	vst.add.f32.msk $0xffff, v6  }
0x58: {  	[tilespmem:s26+$0x7DA0] =	vst.add.f32.msk $0xffff, v7  }
0x59: {  	[tilespmem:s26+$0x7DB0] =	vst.add.f32.msk $0xffff, v8  }
0x5a: {  	[tilespmem:s26+$0x7E00] =	vst.add.f32.msk $0xffff, v9  }
.Ltmp0:
0x5b: {  	[tilespmem:s26+$0x7E10] =	vst.add.f32.msk $0xffff, v10;
	(pc) =	sbr.rel @p0 .LBB2_3-.Ltmp0, $4  }
0x5c: {  	[tilespmem:s26+$0x7E20] =	vst.add.f32.msk $0xffff, v11  }
0x5d: {  	[tilespmem:s26+$0x7E30] =	vst.add.f32.msk $0xffff, v12  }
0x5e: {  	[tilespmem:s26+$0x7E80] =	vst.add.f32.msk $0xffff, v13  }
0x5f: {  	s28 =	sadd.s32 $0x800, s28;
	[tilespmem:s26+$0x7E90] =	vst.add.f32.msk $0xffff, v14  }
0x60: {  	s25 =	sshll.u32 s24, $0x1  }
0x61: {  	s28 =	sadd.s32 s6, s25  }
0x62: {  	s28 =	smul.u32 $0xC80, s28;
	_ =	sdelay $0x1  }
0x63: {  	[tilespmem:s26+$0x7EA0] =	vst.add.f32.msk $0xffff, v0;
	s31 =	sadd.s32 s5, s28;
	s28 =	simm.s32 $0x0  }
0x64: {  	[hbm4b:s31+s28] =	stream.linear.scatter [tilespmem:s12], [sflag:$0x3], $0x6400, $0x38;
	[tilespmem:$0x14500] =	vst v63  }
0x65: {  	_ =	swait.ge [sflag:s20], $0x6400  }
0x66: {  	[sflag:s20] =	ssyncset.done $0x0  }
0x67: {  	s26 =	simm.s32 $0x0;
	[sflag:s20] =	ssyncadd.s32 $0xFFFF9C00  }
0x68: {  	v0 =	vld [tilespmem:s26+$0x1AB0]  }
0x69: {  	v1 =	vld [tilespmem:s26+$0x1900]  }
0x6a: {  	v2 =	vld [tilespmem:s26+$0x1910]  }
0x6b: {  	v3 =	vld [tilespmem:s26+$0x1920]  }
0x6c: {  	v4 =	vld [tilespmem:s26+$0x1930]  }
0x6d: {  	v5 =	vld [tilespmem:s26+$0x1980]  }
0x6e: {  	v6 =	vld [tilespmem:s26+$0x1990]  }
0x6f: {  	v7 =	vld [tilespmem:s26+$0x19A0]  }
0x70: {  	v8 =	vld [tilespmem:s26+$0x19B0]  }
0x71: {  	v9 =	vld [tilespmem:s26+$0x1A00]  }
0x72: {  	v10 =	vld [tilespmem:s26+$0x1A10]  }
0x73: {  	v11 =	vld [tilespmem:s26+$0x1A20]  }
0x74: {  	v12 =	vld [tilespmem:s26+$0x1A30]  }
0x75: {  	v13 =	vld [tilespmem:s26+$0x1A80]  }
0x76: {  	v14 =	vld [tilespmem:s26+$0x1A90]  }
0x77: {  	[tilespmem:s26+$0xE2B0] =	vst.add.f32.msk $0xffff, v0  }
0x78: {  	v0 =	vld [tilespmem:s26+$0x1AA0]  }
0x79: {  	[tilespmem:s26+$0xE100] =	vst.add.f32.msk $0xffff, v1  }
0x7a: {  	[tilespmem:s26+$0xE110] =	vst.add.f32.msk $0xffff, v2  }
0x7b: {  	[tilespmem:s26+$0xE120] =	vst.add.f32.msk $0xffff, v3  }
0x7c: {  	[tilespmem:s26+$0xE130] =	vst.add.f32.msk $0xffff, v4  }
0x7d: {  	[tilespmem:s26+$0xE180] =	vst.add.f32.msk $0xffff, v5  }
0x7e: {  	[tilespmem:s26+$0xE190] =	vst.add.f32.msk $0xffff, v6  }
0x7f: {  	[tilespmem:s26+$0xE1A0] =	vst.add.f32.msk $0xffff, v7  }
0x80: {  	[tilespmem:s26+$0xE1B0] =	vst.add.f32.msk $0xffff, v8  }
0x81: {  	[tilespmem:s26+$0xE200] =	vst.add.f32.msk $0xffff, v9  }
0x82: {  	[tilespmem:s26+$0xE210] =	vst.add.f32.msk $0xffff, v10  }
0x83: {  	[tilespmem:s26+$0xE220] =	vst.add.f32.msk $0xffff, v11  }
0x84: {  	[tilespmem:s26+$0xE230] =	vst.add.f32.msk $0xffff, v12  }
0x85: {  	[tilespmem:s26+$0xE280] =	vst.add.f32.msk $0xffff, v13  }
0x86: {  	s29 =	simm.s32 $0x800;
	s28 =	simm.s32 $0x0;
	[tilespmem:s26+$0xE290] =	vst.add.f32.msk $0xffff, v14  }
.LBB2_5:
0x87: {  	s28 =	sadd.s32 $0x4, s28;
	[tilespmem:s26+$0xE2A0] =	vst.add.f32.msk $0xffff, v0;
	s26 =	sshra.s32 s29, $0x2  }
0x88: {  	v0 =	vld [tilespmem:s26+$0x1AB0];
	p0 =	slt.u32 s28, $0xC4  }
0x89: {  	v1 =	vld [tilespmem:s26+$0x1900]  }
0x8a: {  	v2 =	vld [tilespmem:s26+$0x1910]  }
0x8b: {  	v3 =	vld [tilespmem:s26+$0x1920]  }
0x8c: {  	v4 =	vld [tilespmem:s26+$0x1930]  }
0x8d: {  	[tilespmem:s26+$0xE2B0] =	vst.add.f32.msk $0xffff, v0  }
0x8e: {  	v5 =	vld [tilespmem:s26+$0x1980]  }
0x8f: {  	v6 =	vld [tilespmem:s26+$0x1990]  }
0x90: {  	v7 =	vld [tilespmem:s26+$0x19A0]  }
0x91: {  	v8 =	vld [tilespmem:s26+$0x19B0]  }
0x92: {  	v9 =	vld [tilespmem:s26+$0x1A00]  }
0x93: {  	v10 =	vld [tilespmem:s26+$0x1A10]  }
0x94: {  	v11 =	vld [tilespmem:s26+$0x1A20]  }
0x95: {  	v12 =	vld [tilespmem:s26+$0x1A30]  }
0x96: {  	v13 =	vld [tilespmem:s26+$0x1A80]  }
0x97: {  	v14 =	vld [tilespmem:s26+$0x1A90]  }
0x98: {  	v0 =	vld [tilespmem:s26+$0x1AA0]  }
0x99: {  	[tilespmem:s26+$0xE100] =	vst.add.f32.msk $0xffff, v1  }
0x9a: {  	[tilespmem:s26+$0xE110] =	vst.add.f32.msk $0xffff, v2  }
0x9b: {  	[tilespmem:s26+$0xE120] =	vst.add.f32.msk $0xffff, v3  }
0x9c: {  	[tilespmem:s26+$0xE130] =	vst.add.f32.msk $0xffff, v4  }
0x9d: {  	[tilespmem:s26+$0xE180] =	vst.add.f32.msk $0xffff, v5  }
0x9e: {  	[tilespmem:s26+$0xE190] =	vst.add.f32.msk $0xffff, v6  }
0x9f: {  	[tilespmem:s26+$0xE1A0] =	vst.add.f32.msk $0xffff, v7  }
0xa0: {  	[tilespmem:s26+$0xE1B0] =	vst.add.f32.msk $0xffff, v8  }
0xa1: {  	[tilespmem:s26+$0xE200] =	vst.add.f32.msk $0xffff, v9  }
.Ltmp1:
0xa2: {  	[tilespmem:s26+$0xE210] =	vst.add.f32.msk $0xffff, v10;
	(pc) =	sbr.rel @p0 .LBB2_5-.Ltmp1, $4  }
0xa3: {  	[tilespmem:s26+$0xE220] =	vst.add.f32.msk $0xffff, v11  }
0xa4: {  	[tilespmem:s26+$0xE230] =	vst.add.f32.msk $0xffff, v12  }
0xa5: {  	[tilespmem:s26+$0xE280] =	vst.add.f32.msk $0xffff, v13  }
0xa6: {  	s29 =	sadd.s32 $0x800, s29;
	[tilespmem:s26+$0xE290] =	vst.add.f32.msk $0xffff, v14  }
0xa7: {  	s25 =	sadd.s32 s25, s6  }
0xa8: {  	s25 =	smul.u32 $0xC80, s25;
	_ =	sdelay $0x1  }
0xa9: {  	s25 =	sadd.s32 s5, s25  }
0xaa: {  	[tilespmem:s26+$0xE2A0] =	vst.add.f32.msk $0xffff, v0;
	p0 =	seq.s32 s24, $0xF;
	s25 =	sadd.s32 $0xC80, s25  }
0xab: {  	[hbm4b:s25+s2] =	stream.linear.scatter [tilespmem:s16], [sflag:$0x4], $0x6400, $0x38;
	[tilespmem:$0x14500] =	vst v63  }
0xac: {  	s24 =	sadd.s32 @!p0 $0x1, s24;
	s25 =	simm.s32 @!p0 $0x3  }
0xad: {  	s26 =	smul.u32 @!p0 $0x640, s24;
	_ =	swait.ge @!p0 [sflag:s25], $0x6400  }
0xae: {  	s28 =	simm.s32 @!p0 $0x7D00;
	[sflag:s25] =	ssyncset.done @!p0 $0x0  }
0xaf: {  	[sflag:s25] =	ssyncadd.s32 @!p0 $0xFFFF9C00;
	s25 =	sshra.s32 @!p0 s26, $0x2;
	s26 =	simm.s32 @!p0 $0x80  }
0xb0: {  	[tilespmem:s28], [sflag:$0x1] =	stream.indirect.gather @!p0 [hbm4b:s3+s26], $0x80, s25, s26, $0xb8;
	[tilespmem:$0x14500] =	vst v63  }
0xb1: {  	s29 =	simm.s32 @!p0 $0x48;
	s30 =	simm.s32 @!p0 $0xBD00;
	s28 =	sadd.s32 @!p0 $0x80, s25  }
0xb2: {  	[tilespmem:s30], [sflag:$0x1] =	stream.indirect.gather @!p0 [hbm4b:s3+s29], $0x80, s28, s29, $0xb8;
	[tilespmem:$0x14500] =	vst v63  }
0xb3: {  	s28 =	simm.s32 @!p0 $0x4  }
0xb4: {  	_ =	swait.ge @!p0 [sflag:s28], $0x6400  }
0xb5: {  	[sflag:s28] =	ssyncset.done @!p0 $0x0  }
0xb6: {  	s30 =	simm.s32 @!p0 $0xE100;
	[sflag:s28] =	ssyncadd.s32 @!p0 $0xFFFF9C00;
	s28 =	sadd.s32 @!p0 $0xC8, s25  }
0xb7: {  	[tilespmem:s30], [sflag:$0x2] =	stream.indirect.gather @!p0 [hbm4b:s3+s26], $0x80, s28, s26, $0xb8;
	[tilespmem:$0x14500] =	vst v63  }
0xb8: {  	p1 =	sne.s32 @!p0 s24, $0x10;
	s25 =	sadd.s32 @!p0 $0x148, s25;
	s26 =	simm.s32 @!p0 $0x12100  }
0xb9: {  	[tilespmem:s26], [sflag:$0x2] =	stream.indirect.gather @!p0 [hbm4b:s3+s29], $0x80, s25, s29, $0xb8;
	[tilespmem:$0x14500] =	vst v63  }
0xba: {  	p0 =	por p0, !p1  }
.Ltmp2:
0xbb: {  	_ = 	snop;
	(pc) =	sbr.rel @!p0 .LBB2_2-.Ltmp2, $1  }
0xbc: {  	_ =	sdelay $0x3  }
0xbd: {  	s23 =	sadd.s32 $0x1, s23  }
0xbe: {  	_ =	swait.ge [sflag:s21], $0x6400;
	p0 =	sne.s32 s23, s8  }
.Ltmp3:
0xbf: {  	[sflag:s21] =	ssyncset.done $0x0;
	(pc) =	sbr.rel @p0 .LBB2_1-.Ltmp3, $4  }
0xc0: {  	[sflag:s21] =	ssyncadd.s32 $0xFFFF9C00  }
0xc1: {  	_ =	swait.ge [sflag:s22], $0x6400  }
0xc2: {  	[sflag:s22] =	ssyncset.done $0x0  }
0xc3: {  	[sflag:s22] =	ssyncadd.s32 $0xFFFF9C00  }
0xc4: {  	_ =	sfence.sel $0x180000  }
0xc5: {  	[bflag:$0x0] =	sbarrier.arrive $0xFFFF  }
0xc6: {  	p0 =	sne.s32 s1, $0x0;
	_ =	strace $0x90000047  }
0xc7: {  	s0 =	sadd.s32 @!p0 $0x100000, s0;
	[bflag:$0x2] =	sbarrier.arrive $0xFFFF  }
0xc8: {  	[sflag:s0] =	ssyncadd.tile.s32 @!p0 $0x1;
	_ =	shalt  }
.Lfunc_end2:
_tile_overlayer_lowered:
.L_overlay_start_2:
0xc9: {  	(tag) =	ssettag $0x2  }
0xca: {  	s0 =	rddreg [dreg:$0x0];
	s2 =	stileid.u32  }
0xcb: {  	s1 =	rddreg [dreg:$0x1];
	p0 =	sne.s32 s2, $0x0  }
0xcc: {  	s3 =	rddreg [dreg:$0x2];
	[bflag:$0x3] =	sbarrier.arrive $0xFFFF;
	s2 =	simm.s32 @!p0 $0x1C05  }
0xcd: {  	[timem:s3], [sflag:s2] =	dma.local @!p0 [hbm:s0], s1  }
0xce: {  	s0 =	simm.s32 @!p0 $0x5  }
0xcf: {  	_ =	swait.ge @!p0 [sflag:s0], s1  }
0xd0: {  	s1 =	ssub.s32 @!p0 $0x0, s1;
	[sflag:s0] =	ssyncset.done @!p0 $0x0  }
0xd1: {  	[sflag:s0] =	ssyncadd.s32 @!p0 s1  }
0xd2: {  	[bflag:$0x3] =	sbarrier.arrive $0xFFFF  }
0xd3: {  	_ =	shalt  }

// kernel: sparse-core-data-format-call.cloned.1.call-start
scs
called_computation_lowered:
.L_overlay_start_0:
0x0: {  	s2 =	sld [smem:$0x3FD9]  }
0x1: {  	s3 =	sld [smem:$0x3FFE];
	_ =	sdelay $0x1  }
0x2: {  	s1 =	srdreg.scid  }
0x3: {  	s0 =	sand.u32 $0x1, s1  }
0x4: {  	s18 =	sshll.u32 s0, $0xA;
	s2 =	sadd.s32 s3, s2  }
0x5: {  	s2 =	sadd.s32 s2, s18  }
0x6: {  	[smem:$0x3FC6] =	sst s2  }
0x7: {  	_ = 	snop  }
0x8: {  	s2 =	sld [smem:$0x3FD0];
	(tm) =	ssettm $0x1  }
0x9: {  	s19 =	sld [smem:$0x3FFB];
	_ =	sdelay $0x3  }
0xa: {  	_ =	strace s19  }
0xb: {  	s3 =	sld [smem:$0x3FFC];
	_ =	sdelay $0x3  }
0xc: {  	_ =	strace s3  }
0xd: {  	s3 =	sld [smem:$0x3FFD];
	_ =	sdelay $0x3  }
0xe: {  	_ =	strace s3  }
0xf: {  	_ =	strace $0x8FFFFFFF  }
0x10: {  	s20 =	sld [smem:$0x3FDB];
	_ =	sdelay $0x1  }
0x11: {  	s4 =	simm.s32 $_scs_section_size  }
0x12: {  	s5 =	simm.s32 $_size__tile_overlayer_lowered;
	s6 =	simm.s32 $_tile_overlayer_lowered  }
0x13: {  	s23 =	simm.s32 $0x1BFF;
	s22 =	sshll.u32 s6, $0x1;
	s3 =	sadd.s32 s4, s20  }
0x14: {  	s7 =	simm.s32 $0x0;
	s21 =	sshll.u32 s5, $0x1;
	s5 =	sadd.s32 s22, s3  }
0x15: {  	[timem:s7], [sflag:s23] =	dma.local [hbm:s5], s21  }
0x16: {  	_ =	swait.ge [sflag:s23], s21  }
0x17: {  	s4 =	ssub.s32 $0x0, s21;
	[sflag:s23] =	ssyncset.done $0x0  }
0x18: {  	[sflag:s23] =	ssyncadd.s32 s4;
	_ =	sdelay $0x1  }
0x19: {  	s24 =	simm.s32 $0x1B8B  }
0x1a: {  	_ =	swait.ge [sflag:s24], $0x1  }
0x1b: {  	[sflag:s24] =	ssyncset.done $0x0  }
0x1c: {  	s26 =	simm.s32 $0x1B8E;
	s25 =	sld [smem:$0x3FFE];
	[sflag:s24] =	ssyncadd.s32 $0xFFFFFFFF  }
0x1d: {  	s27 =	simm.s32 $execute0_lowered;
	[smem:$0x3FD2] =	sst s26  }
0x1e: {  	s5 =	sshll.u32 s27, $0x1;
	_ =	strace $0x80000049;
	[dreg:$0x1] =	wrdreg $0xFFFFFFFF  }
0x1f: {  	s28 =	simm.s32 $_size_execute0_lowered;
	s3 =	sadd.s32 s3, s5;
	[dreg:$0x0] =	wrdreg $0x0  }
0x20: {  	s5 =	sshll.u32 s28, $0x1;
	[dreg:$0x2] =	wrdreg s3  }
0x21: {  	[dreg:$0x3] =	wrdreg s5  }
0x22: {  	[dreg:$0x4] =	wrdreg $0xC0  }
0x23: {  	_ =	task [dreg:s7], $0x5FFFF  }
0x24: {  	[dreg:$0x1] =	wrdreg $0xFFFFFFFF  }
0x25: {  	[dreg:$0x0] =	wrdreg $0x60  }
0x26: {  	[dreg:$0x2] =	wrdreg s25  }
0x27: {  	[dreg:$0x3] =	wrdreg s2  }
0x28: {  	[dreg:$0x4] =	wrdreg $0x9  }
0x29: {  	_ =	task.clear_ibuf [dreg:s7], $0x5FFFF;
	_ =	strace $0x90000049  }
0x2a: {  	s29 =	simm.s32 $0x9;
	_ =	strace $0x8000004B  }
0x2b: {  	_ =	swait.ge [sflag:s29], $0x1  }
0x2c: {  	[sflag:s29] =	ssyncadd.s32 $0xFFFFFFFF  }
0x2d: {  	_ =	strace $0x9000004B  }
0x2e: {  	_ =	sfence  }
0x2f: {  	s30 =	sld [smem:$0x0];
	_ =	sdelay $0x2  }
0x30: {  	s31 =	sshll.u32 s1, $0xD;
	s1 =	sshrl.u32 s1, $0x2  }
0x31: {  	s3 =	sand.u32 $0x4000, s31;
	s1 =	sadd.s32 s1, s30  }
0x32: {  	s0 =	sor.u32 s3, s0;
	s1 =	sshll.u32 s1, $0x11  }
0x33: {  	s0 =	sor.u32 s1, s0  }
0x34: {  	s0 =	sadd.s32 $0x8F2B, s0  }
0x35: {  	[sflag:s0] =	ssyncadd.remote.s32 $0x1  }
0x36: {  	_ =	sfence.sel $0xFFFF  }
0x37: {  	[dreg:$0x0] =	wrdreg $0xFFFFFFFF;
	(pc) =	sbr.abs _section_cstart, $3  }
0x38: {  	[dreg:$0x1] =	wrdreg $0xFFFFFFFF  }
0x39: {  	_ =	task.clear_ibuf [dreg:s7], $0x2FFFF;
	_ =	strace $0x9FFFFFFF  }
0x3a: {  	(tm) =	ssettm $0x7FFFFFFF  }
0x3b: {  	_ =	shalt  }
tec
execute0_lowered:
.L_overlay_start_1:
0x0: {  	(tag) =	ssettag $0x1  }
0x1: {  	s0 =	stileid.u32;
	s6 =	rddreg [dreg:$0x0]  }
0x2: {  	s2 =	rddreg [dreg:$0x1];
	s5 =	srdreg.scid  }
0x3: {  	s31 =	simm.s32 $0x2;
	s13 =	simm.s32 $0x0;
	s1 =	sshll.u32 s0, $0x7  }
0x4: {  	s14 =	simm.s32 $0x0;
	s12 =	simm.s32 $0x0;
	s3 =	sand.u32 $0x380, s1  }
0x5: {  	s5 =	sshll.u32 s5, $0x4;
	s6 =	sadd.s32 $0x1400, s6;
	s4 =	ssub.s32 $0x400, s3  }
0x6: {  	s1 =	rddreg [dreg:$0x2];
	_ =	strace $0x8000004A;
	s7 =	sand.u32 $0x380, s4  }
0x7: {  	s5 =	sand.u32 $0x10, s5;
	p0 =	sne.s32 s7, $0x0;
	s7 =	simm.s32 $0x1  }
.Ltmp0:
0x8: {  	s8 =	sshrl.u32 s4, $0xA;
	s7 =	simm.s32 @!p0 $0x0;
	(pc) =	sbr.rel .LBB1_1-.Ltmp0, $4  }
0x9: {  	s9 =	sor.u32 s0, s5;
	s4 =	simm.s32 $0x1;
	s30 =	sadd.s32 s7, s8  }
0xa: {  	s11 =	smov.u32 s3;
	[sflag:s4] =	ssyncpa.u1 $0x0;
	s5 =	smul.u32 $0x32, s30  }
0xb: {  	[sflag:s31] =	ssyncpa.u1 $0x0;
	p0 =	por $0x0, $0x0;
	s7 =	sshrl.u32 s9, $0x3  }
0xc: {  	s9 =	simm.s32 $0x2000;
	s10 =	smov.u32 s7;
	s8 =	sor.u32 $0x1, s5  }
.LBB1_4:
0xd: {  	s17 =	sand.u32 $0x1F80, s14;
	s13 =	sshll.u32 s13, $0xD  }
0xe: {  	[tilespmem:s16+$0x810 ss:$0x81] =	vst.msk $0xffff, v2;
	s18 =	sshrl.u32 s14, $0x3;
	s31 =	sand.u32 $0x7, s14;
	s17 =	sadd.s32 s2, s17  }
0xf: {  	[tilespmem:s16+$0x1020 ss:$0x81] =	vst.msk $0xffff, v0;
	s18 =	sand.u32 $0xF, s18;
	s14 =	sshll.u32 s31, $0x12;
	s13 =	sadd.s32 s13, s17  }
0x10: {  	[tilespmem:s16+$0x0 ss:$0x81] =	vst.msk $0xffff, v1;
	s14 =	sor.u32 $0x400, s14;
	s13 =	sadd.s32 s18, s13  }
0x11: {  	[hbm4b:s13+s14] =	stream.strided.scatter [tilespmem:s15], [sflag:$0x2], $0x2000, s9, s14, $0x20;
	[tilespmem:$0x8080] =	vst v63  }
.LBB1_5:
0x12: {  	s15 =	sadd.s32 $0x4, s10  }
0x13: {  	s13 =	sadd.s32 $0x400, s11;
	s17 =	smov.u32 s11;
	p2 =	sgt.s32 s15, $0xC7  }
0x14: {  	s17 =	smov.u32 @p2 s13  }
0x15: {  	s15 =	smov.u32 @p2 s7;
	p2 =	sgt.s32 s17, $0x3FF  }
0x16: {  	s17 =	smov.u32 @p2 s3;
	p2 =	sne.s32 s12, s8  }
.Ltmp1:
0x17: {  	p1 =	slt.u32 s12, $0x2;
	(pc) =	sbr.rel @!p2 .LBB1_6-.Ltmp1, $4  }
0x18: {  	s16 =	simm.s32 @!p1 $0x2  }
0x19: {  	s14 =	smov.u32 s11;
	p0 =	por !p0, !p0;
	_ =	swait.ge @!p1 [sflag:s16], $0x2000  }
0x1a: {  	s13 =	smov.u32 s10;
	[sflag:s16] =	ssyncset.done @!p1 $0x0;
	s10 =	smov.u32 s15  }
0x1b: {  	s12 =	sadd.s32 $0x1, s12;
	[sflag:s16] =	ssyncadd.s32 @!p1 $0xFFFFE000;
	s11 =	smov.u32 s17  }
.LBB1_1:
0x1c: {  	p1 =	sge.u32 s12, s5  }
0x1d: {  	s15 =	sand.u32 @!p1 $0x1FFFFFF, s10  }
0x1e: {  	s16 =	smulhi.u32 @!p1 $0x147AE15, s15;
	_ =	sdelay $0x1  }
0x1f: {  	s16 =	smul.u32 @!p1 $0xC8, s16  }
0x20: {  	s17 =	sxor.u32 @!p1 $0xFFFFFFFF, s12;
	s18 =	smul.u32 @!p1 $0xC80, s11  }
0x21: {  	s31 =	sadd.s32 $0xFFFFFFFF, s12;
	s17 =	sshll.u32 @!p1 s17, $0xD;
	s15 =	ssub.s32 @!p1 s15, s16  }
0x22: {  	s16 =	sand.u32 @!p1 $0x2000, s17;
	s17 =	sadd.s32 @!p1 s6, s18;
	s15 =	sshll.u32 @!p1 s15, $0x4  }
0x23: {  	s18 =	simm.s32 @!p1 $0x6400;
	s15 =	sadd.s32 @!p1 s15, s17;
	s17 =	simm.s32 @!p1 $0x40  }
0x24: {  	[tilespmem:s16], [sflag:$0x1] =	stream.strided.gather @!p1 [hbm4b:s15+s17], $0x2000, s18, s17, $0x38;
	[tilespmem:$0x8080] =	vst v63  }
0x25: {  	p1 =	sge.u32 s31, s5  }
.Ltmp2:
0x26: {  	_ = 	snop;
	(pc) =	sbr.rel @p1 .LBB1_5-.Ltmp2, $1  }
0x27: {  	_ =	sdelay $0x3  }
0x28: {  	s15 =	simm.s32 $0x1  }
0x29: {  	_ =	swait.ge [sflag:s4], $0x2000;
	s15 =	simm.s32 @!p0 $0x0  }
0x2a: {  	[sflag:s4] =	ssyncset.done $0x0;
	s16 =	sshll.u32 s15, $0xD  }
0x2b: {  	[sflag:s4] =	ssyncadd.s32 $0xFFFFE000;
	s19 =	sor.u32 $0x20, s16  }
0x2c: {  	s15 =	smul.u32 $0x8100, s15;
	v3 =	vld [tilespmem:s19+$0x10]  }
0x2d: {  	s30 =	sand.u32 $0x1, s12;
	v2 =	vld [tilespmem:s19+$0xFFFFFFF0]  }
0x2e: {  	s16 =	smul.u32 $0x8100, s30;
	s15 =	sshrl.u32 s15, $0x2;
	v0 =	vld [tilespmem:s19+$0x0]  }
0x2f: {  	v1 =	vld [tilespmem:s19+$0xFFFFFFE0];
	s17 =	sor.u32 $0x4000, s15  }
0x30: {  	s31 =	sshrl.u32 s16, $0x2;
	s16 =	sadd.s32 $0x0, s17  }
0x31: {  	s18 =	simm.s32 $0x4;
	s19 =	sadd.s32 $0x40, s19;
	s15 =	sor.u32 $0x4000, s31;
	[tilespmem:s16+$0x1830 ss:$0x81] =	vst.msk $0xffff, v3  }
.LBB1_3:
0x32: {  	v3 =	vld [tilespmem:s19+$0x10];
	p1 =	sne.s32 s18, $0x1FC;
	[tilespmem:s16+$0x810 ss:$0x81] =	vst.msk $0xffff, v2;
	s20 =	smov.u32 s18;
	s18 =	sadd.s32 $0x4, s18  }
.Ltmp3:
0x33: {  	v2 =	vld [tilespmem:s19+$0xFFFFFFF0];
	[tilespmem:s16+$0x1020 ss:$0x81] =	vst.msk $0xffff, v0;
	(pc) =	sbr.rel @p1 .LBB1_3-.Ltmp3, $4  }
0x34: {  	v0 =	vld [tilespmem:s19+$0x0];
	[tilespmem:s16+$0x0 ss:$0x81] =	vst.msk $0xffff, v1  }
0x35: {  	s16 =	sshra.s32 s20, $0x2;
	v1 =	vld [tilespmem:s19+$0xFFFFFFE0]  }
0x36: {  	s16 =	sadd.s32 s16, s17  }
0x37: {  	s19 =	sadd.s32 $0x40, s19;
	[tilespmem:s16+$0x1830 ss:$0x81] =	vst.msk $0xffff, v3  }
.Ltmp4:
0x38: {  	_ = 	snop;
	(pc) =	sbr.rel .LBB1_4-.Ltmp4, $1  }
0x39: {  	_ =	sdelay $0x3  }
.LBB1_6:
0x3a: {  	_ =	sfence.sel $0x180000  }
0x3b: {  	s2 =	simm.s32 $0x1;
	[bflag:$0x0] =	sbarrier.arrive $0xFFFF  }
0x3c: {  	s31 =	simm.s32 $0x2;
	[sflag:s2] =	ssyncpa.u1 $0x1  }
0x3d: {  	[sflag:s31] =	ssyncpa.u1 $0x1  }
0x3e: {  	p0 =	sne.s32 s0, $0x0;
	_ =	strace $0x9000004A  }
0x3f: {  	s0 =	sadd.s32 @!p0 $0x100000, s1;
	[bflag:$0x2] =	sbarrier.arrive $0xFFFF  }
0x40: {  	[sflag:s0] =	ssyncadd.tile.s32 @!p0 $0x1;
	_ =	shalt  }
.Lfunc_end1:
_tile_overlayer_lowered:
.L_overlay_start_2:
0x41: {  	(tag) =	ssettag $0x2  }
0x42: {  	s0 =	rddreg [dreg:$0x0];
	s2 =	stileid.u32  }
0x43: {  	s1 =	rddreg [dreg:$0x1];
	p0 =	sne.s32 s2, $0x0  }
0x44: {  	s3 =	rddreg [dreg:$0x2];
	[bflag:$0x3] =	sbarrier.arrive $0xFFFF;
	s2 =	simm.s32 @!p0 $0x1C01  }
0x45: {  	[timem:s3], [sflag:s2] =	dma.local @!p0 [hbm:s0], s1  }
0x46: {  	s0 =	simm.s32 @!p0 $0x1  }
0x47: {  	_ =	swait.ge @!p0 [sflag:s0], s1  }
0x48: {  	s1 =	ssub.s32 @!p0 $0x0, s1;
	[sflag:s0] =	ssyncset.done @!p0 $0x0  }
0x49: {  	[sflag:s0] =	ssyncadd.s32 @!p0 s1  }
0x4a: {  	[bflag:$0x3] =	sbarrier.arrive $0xFFFF  }
0x4b: {  	_ =	shalt  }

</sc_bundles>
